<compile_context>
chip_gen: v7x
topology: tpu7x:2x2x1
jax: 0.10.2.dev20260603
libtpu: 0.0.44.dev20260713+nightly
codegen_flags: <defaults>
</compile_context>

<pallas_src>
import functools

import jax
import jax.numpy as jnp
from jax import lax
from jax.experimental import pallas as pl
from jax.experimental.pallas import tpu as pltpu
from jax.experimental.pallas import tpu_sc as plsc

D_MODEL = 64
SCALE = 8.0
NUM_WORKERS = 32
CHUNK = 128
NBUF = 4


@functools.lru_cache(maxsize=None)
def _build(n_rows: int):
    rows_per_w = n_rows // NUM_WORKERS
    n_chunks = rows_per_w // CHUNK
    assert n_chunks % NBUF == 0

    mesh = plsc.VectorSubcoreMesh(core_axis_name="c", subcore_axis_name="s")

    scratch = [pltpu.VMEM((n_chunks, CHUNK), jnp.int32)]
    scratch += [pltpu.VMEM((CHUNK, D_MODEL), jnp.float32) for _ in range(NBUF)]
    scratch += [pltpu.SemaphoreType.DMA for _ in range(2 * NBUF)]

    @functools.partial(
        pl.kernel,
        mesh=mesh,
        out_type=jax.ShapeDtypeStruct(
            (NUM_WORKERS, n_chunks, CHUNK, D_MODEL), jnp.float32
        ),
        scratch_types=scratch,
        compiler_params=pltpu.CompilerParams(use_tc_tiling_on_sc=False),
    )
    def emb_kernel(x_hbm, tab_hbm, out_hbm, idx_v, *rest):
        bufs = rest[:NBUF]
        gsems = rest[NBUF : 2 * NBUF]
        osems = rest[2 * NBUF :]
        wid = lax.axis_index("s") * 2 + lax.axis_index("c")

        pltpu.sync_copy(x_hbm.at[wid], idx_v)

        for b in range(NBUF):
            pltpu.async_copy(tab_hbm.at[idx_v.at[b]], bufs[b], gsems[b])

        def outer(g, carry):
            for b in range(NBUF):
                j = g * NBUF + b
                pltpu.make_async_copy(
                    tab_hbm.at[idx_v.at[j]], bufs[b], gsems[b]
                ).wait()

                def scale(r, c, buf=bufs[b]):
                    for rr in range(4):
                        for u in range(4):
                            sl = (r * 4 + rr, pl.ds(u * 16, 16))
                            buf[sl] = buf[sl] * SCALE
                    return c

                lax.fori_loop(0, CHUNK // 4, scale, 0)

                pltpu.async_copy(bufs[b], out_hbm.at[wid, j], osems[b])
                nxt = j + NBUF

                @pl.when(nxt < n_chunks)
                def _(b=b, j=j, nxt=nxt):
                    pltpu.make_async_copy(
                        bufs[b], out_hbm.at[wid, j], osems[b]
                    ).wait()
                    pltpu.async_copy(
                        tab_hbm.at[idx_v.at[nxt]], bufs[b], gsems[b]
                    )

            return carry

        lax.fori_loop(0, n_chunks // NBUF, outer, 0)

        for b in range(NBUF):
            pltpu.make_async_copy(bufs[b], out_hbm.at[wid, 0], osems[b]).wait()

    return emb_kernel


def kernel(x, table):
    b, t = x.shape
    n_rows = b * t
    xr = x.reshape(NUM_WORKERS, n_rows // (NUM_WORKERS * CHUNK), CHUNK).astype(
        jnp.int32
    )
    out = _build(n_rows)(xr, table)
    return out.reshape(b, t, D_MODEL)

# --- scband reference (transcript-rebuilt; emitter-appended) ---
"""Pipeline reference for scband-input-embedding-60155311948081 (READ-ONLY COPY).

The authoritative reference and input builder live on the scoring server;
editing this copy changes nothing except your own understanding.
"""

import jax, jax.numpy as jnp
import numpy as np

VOCAB_SIZE = 1000000
D_MODEL = 64

def setup_inputs(seed: int = 0) -> dict:
    key = jax.random.key(seed)
    k1, k2 = jax.random.split(key)
    x = jax.random.randint(k1, (4096, 200), 0, VOCAB_SIZE, dtype=jnp.int64) if jax.config.jax_enable_x64 else jax.random.randint(k1, (4096, 200), 0, VOCAB_SIZE, dtype=jnp.int32)
    # embedding table, initialized like nn.Embedding (normal(0,1))
    table = jax.random.normal(k2, (VOCAB_SIZE, D_MODEL), dtype=jnp.float32)
    return {"x": x, "table": table}

def reference(x, table):
    scale = jnp.sqrt(jnp.asarray(D_MODEL, dtype=jnp.float32))
    emb = jnp.take(table, x, axis=0)
    return emb * scale

if __name__ == "__main__":
    import jax
    _d = setup_inputs()
    print(jax.jit(kernel)(*tuple(_d.values())))

</pallas_src>

<mosaic_0001>
#map = affine_map<(d0, d1) -> (0, 0, 0)>
#map1 = affine_map<(d0, d1) -> (0, 0)>
#map2 = affine_map<(d0, d1) -> (0, 0, 0, 0)>
module attributes {stable_mosaic.version = 14 : i64} {
  func.func @emb_kernel(%arg0: i32, %arg1: i32, %arg2: memref<32x200x128xi32, #tpu.memory_space<hbm>>, %arg3: memref<1000000x64xf32, #tpu.memory_space<hbm>>, %arg4: memref<32x200x128x64xf32, #tpu.memory_space<hbm>>, %arg5: memref<200x128xi32, #tpu.memory_space<vmem>>, %arg6: memref<128x64xf32, #tpu.memory_space<vmem>>, %arg7: memref<128x64xf32, #tpu.memory_space<vmem>>, %arg8: memref<128x64xf32, #tpu.memory_space<vmem>>, %arg9: memref<128x64xf32, #tpu.memory_space<vmem>>, %arg10: memref<!tpu.dma_semaphore, #tpu.memory_space<semaphore_mem>>, %arg11: memref<!tpu.dma_semaphore, #tpu.memory_space<semaphore_mem>>, %arg12: memref<!tpu.dma_semaphore, #tpu.memory_space<semaphore_mem>>, %arg13: memref<!tpu.dma_semaphore, #tpu.memory_space<semaphore_mem>>, %arg14: memref<!tpu.dma_semaphore, #tpu.memory_space<semaphore_mem>>, %arg15: memref<!tpu.dma_semaphore, #tpu.memory_space<semaphore_mem>>, %arg16: memref<!tpu.dma_semaphore, #tpu.memory_space<semaphore_mem>>, %arg17: memref<!tpu.dma_semaphore, #tpu.memory_space<semaphore_mem>>) attributes {dimension_semantics = [#tpu.dimension_semantics<core_parallel>, #tpu.dimension_semantics<subcore_parallel>], iteration_bounds = array<i64: 2, 16>, scalar_prefetch = 0 : i64, scratch_operands = 13 : i64, tpu.core_type = #tpu.core_type<sc_vector_subcore>, window_params = [{transform_indices = #map}, {transform_indices = #map1}, {transform_indices = #map2}]} {
    %mul3A = arith.constant 2 : i32
    %mul3A_0 = arith.muli %arg1, %mul3A : i32
    %add3A = arith.addi %mul3A_0, %arg0 : i32
    "tpu.region"() ({
      %run_scoped3A = tpu.sem_alloc : memref<!tpu.dma_semaphore, #tpu.memory_space<semaphore_mem>>
      %dma_start3A_68 = arith.constant 0 : i32
      %dma_start3A_69 = arith.constant 0 : i32
      %dma_start3A_70 = tpu.memref_slice %arg2[%add3A, %dma_start3A_68, %dma_start3A_69] : memref<32x200x128xi32, #tpu.memory_space<hbm>> -> memref<1x200x128xi32, #tpu.memory_space<hbm>>
      %dma_start3A_71 = tpu.memref_squeeze %dma_start3A_70 : memref<1x200x128xi32, #tpu.memory_space<hbm>> -> memref<200x128xi32, #tpu.memory_space<hbm>>
      %dma_start3A_72 = arith.constant 0 : i32
      %dma_start3A_73 = arith.constant 0 : i32
      %dma_start3A_74 = tpu.memref_slice %arg2[%add3A, %dma_start3A_72, %dma_start3A_73] : memref<32x200x128xi32, #tpu.memory_space<hbm>> -> memref<1x200x128xi32, #tpu.memory_space<hbm>>
      %dma_start3A_75 = tpu.memref_squeeze %dma_start3A_74 : memref<1x200x128xi32, #tpu.memory_space<hbm>> -> memref<200x128xi32, #tpu.memory_space<hbm>>
      tpu.enqueue_dma source(%dma_start3A_75 : memref<200x128xi32, #tpu.memory_space<hbm>>) target(%arg5 : memref<200x128xi32, #tpu.memory_space<vmem>>) target_semaphore(%run_scoped3A : memref<!tpu.dma_semaphore, #tpu.memory_space<semaphore_mem>>)
      %dma_wait3A_76 = arith.constant 0 : i32
      %dma_wait3A_77 = arith.constant 0 : i32
      %dma_wait3A_78 = tpu.memref_slice %arg2[%add3A, %dma_wait3A_76, %dma_wait3A_77] : memref<32x200x128xi32, #tpu.memory_space<hbm>> -> memref<1x200x128xi32, #tpu.memory_space<hbm>>
      %dma_wait3A_79 = tpu.memref_squeeze %dma_wait3A_78 : memref<1x200x128xi32, #tpu.memory_space<hbm>> -> memref<200x128xi32, #tpu.memory_space<hbm>>
      %dma_wait3A_80 = arith.constant 0 : i32
      %dma_wait3A_81 = arith.constant 0 : i32
      %dma_wait3A_82 = tpu.memref_slice %arg2[%add3A, %dma_wait3A_80, %dma_wait3A_81] : memref<32x200x128xi32, #tpu.memory_space<hbm>> -> memref<1x200x128xi32, #tpu.memory_space<hbm>>
      %dma_wait3A_83 = tpu.memref_squeeze %dma_wait3A_82 : memref<1x200x128xi32, #tpu.memory_space<hbm>> -> memref<200x128xi32, #tpu.memory_space<hbm>>
      tpu.wait_dma2 semaphore(%run_scoped3A : memref<!tpu.dma_semaphore, #tpu.memory_space<semaphore_mem>>) src(%dma_wait3A_83 : memref<200x128xi32, #tpu.memory_space<hbm>>) dst(%arg5 : memref<200x128xi32, #tpu.memory_space<vmem>>)
      tpu.yield
    }) : () -> ()
    %dma_start3A = arith.constant 0 : i32
    %dma_start3A_1 = arith.constant 0 : i32
    %dma_start3A_2 = tpu.memref_slice %arg5[%dma_start3A, %dma_start3A_1] : memref<200x128xi32, #tpu.memory_space<vmem>> -> memref<1x128xi32, #tpu.memory_space<vmem>>
    %dma_start3A_3 = tpu.memref_squeeze %dma_start3A_2 : memref<1x128xi32, #tpu.memory_space<vmem>> -> memref<128xi32, #tpu.memory_space<vmem>>
    %dma_start3A_4 = arith.constant 0 : i32
    %dma_start3A_5 = arith.constant 0 : i32
    %dma_start3A_6 = tpu.memref_slice %arg3[%dma_start3A_4, %dma_start3A_5] : memref<1000000x64xf32, #tpu.memory_space<hbm>> -> memref<1000000x64xf32, #tpu.memory_space<hbm>>
    tpu.enqueue_indirect_dma source(%dma_start3A_6 : memref<1000000x64xf32, #tpu.memory_space<hbm>>) target(%arg6 : memref<128x64xf32, #tpu.memory_space<vmem>>) offsets(%dma_start3A_3 : memref<128xi32, #tpu.memory_space<vmem>>) semaphore(%arg10 : memref<!tpu.dma_semaphore, #tpu.memory_space<semaphore_mem>>)
    %dma_start3A_7 = arith.constant 1 : i32
    %dma_start3A_8 = arith.constant 0 : i32
    %dma_start3A_9 = tpu.memref_slice %arg5[%dma_start3A_7, %dma_start3A_8] : memref<200x128xi32, #tpu.memory_space<vmem>> -> memref<1x128xi32, #tpu.memory_space<vmem>>
    %dma_start3A_10 = tpu.memref_squeeze %dma_start3A_9 : memref<1x128xi32, #tpu.memory_space<vmem>> -> memref<128xi32, #tpu.memory_space<vmem>>
    %dma_start3A_11 = arith.constant 0 : i32
    %dma_start3A_12 = arith.constant 0 : i32
    %dma_start3A_13 = tpu.memref_slice %arg3[%dma_start3A_11, %dma_start3A_12] : memref<1000000x64xf32, #tpu.memory_space<hbm>> -> memref<1000000x64xf32, #tpu.memory_space<hbm>>
    tpu.enqueue_indirect_dma source(%dma_start3A_13 : memref<1000000x64xf32, #tpu.memory_space<hbm>>) target(%arg7 : memref<128x64xf32, #tpu.memory_space<vmem>>) offsets(%dma_start3A_10 : memref<128xi32, #tpu.memory_space<vmem>>) semaphore(%arg11 : memref<!tpu.dma_semaphore, #tpu.memory_space<semaphore_mem>>)
    %dma_start3A_14 = arith.constant 2 : i32
    %dma_start3A_15 = arith.constant 0 : i32
    %dma_start3A_16 = tpu.memref_slice %arg5[%dma_start3A_14, %dma_start3A_15] : memref<200x128xi32, #tpu.memory_space<vmem>> -> memref<1x128xi32, #tpu.memory_space<vmem>>
    %dma_start3A_17 = tpu.memref_squeeze %dma_start3A_16 : memref<1x128xi32, #tpu.memory_space<vmem>> -> memref<128xi32, #tpu.memory_space<vmem>>
    %dma_start3A_18 = arith.constant 0 : i32
    %dma_start3A_19 = arith.constant 0 : i32
    %dma_start3A_20 = tpu.memref_slice %arg3[%dma_start3A_18, %dma_start3A_19] : memref<1000000x64xf32, #tpu.memory_space<hbm>> -> memref<1000000x64xf32, #tpu.memory_space<hbm>>
    tpu.enqueue_indirect_dma source(%dma_start3A_20 : memref<1000000x64xf32, #tpu.memory_space<hbm>>) target(%arg8 : memref<128x64xf32, #tpu.memory_space<vmem>>) offsets(%dma_start3A_17 : memref<128xi32, #tpu.memory_space<vmem>>) semaphore(%arg12 : memref<!tpu.dma_semaphore, #tpu.memory_space<semaphore_mem>>)
    %dma_start3A_21 = arith.constant 3 : i32
    %dma_start3A_22 = arith.constant 0 : i32
    %dma_start3A_23 = tpu.memref_slice %arg5[%dma_start3A_21, %dma_start3A_22] : memref<200x128xi32, #tpu.memory_space<vmem>> -> memref<1x128xi32, #tpu.memory_space<vmem>>
    %dma_start3A_24 = tpu.memref_squeeze %dma_start3A_23 : memref<1x128xi32, #tpu.memory_space<vmem>> -> memref<128xi32, #tpu.memory_space<vmem>>
    %dma_start3A_25 = arith.constant 0 : i32
    %dma_start3A_26 = arith.constant 0 : i32
    %dma_start3A_27 = tpu.memref_slice %arg3[%dma_start3A_25, %dma_start3A_26] : memref<1000000x64xf32, #tpu.memory_space<hbm>> -> memref<1000000x64xf32, #tpu.memory_space<hbm>>
    tpu.enqueue_indirect_dma source(%dma_start3A_27 : memref<1000000x64xf32, #tpu.memory_space<hbm>>) target(%arg9 : memref<128x64xf32, #tpu.memory_space<vmem>>) offsets(%dma_start3A_24 : memref<128xi32, #tpu.memory_space<vmem>>) semaphore(%arg13 : memref<!tpu.dma_semaphore, #tpu.memory_space<semaphore_mem>>)
    %scan3A = arith.constant 0 : i32
    %scan3A_28 = arith.constant 0 : i32
    %scan3A_29 = arith.constant 50 : i32
    %scan3A_30 = arith.addi %scan3A_28, %scan3A_29 : i32
    %scan3A_31 = arith.constant 1 : i32
    scf.for %scan3A_68 = %scan3A_28 to %scan3A_30 step %scan3A_31  : i32 {
      %mul3A_69 = arith.constant 4 : i32
      %mul3A_70 = arith.muli %scan3A_68, %mul3A_69 : i32
      %add3A_71 = arith.constant 0 : i32
      %add3A_72 = arith.addi %mul3A_70, %add3A_71 : i32
      %dma_wait3A_73 = arith.constant 0 : i32
      %dma_wait3A_74 = tpu.memref_slice %arg5[%add3A_72, %dma_wait3A_73] : memref<200x128xi32, #tpu.memory_space<vmem>> -> memref<1x128xi32, #tpu.memory_space<vmem>>
      %dma_wait3A_75 = tpu.memref_squeeze %dma_wait3A_74 : memref<1x128xi32, #tpu.memory_space<vmem>> -> memref<128xi32, #tpu.memory_space<vmem>>
      %dma_wait3A_76 = arith.constant 0 : i32
      %dma_wait3A_77 = arith.constant 0 : i32
      %dma_wait3A_78 = tpu.memref_slice %arg3[%dma_wait3A_76, %dma_wait3A_77] : memref<1000000x64xf32, #tpu.memory_space<hbm>> -> memref<1000000x64xf32, #tpu.memory_space<hbm>>
      tpu.wait_indirect_dma semaphore(%arg10 : memref<!tpu.dma_semaphore, #tpu.memory_space<semaphore_mem>>) src(%dma_wait3A_78 : memref<1000000x64xf32, #tpu.memory_space<hbm>>) dst(%arg6 : memref<128x64xf32, #tpu.memory_space<vmem>>)
      %scan3A_79 = arith.constant 0 : i32
      %scan3A_80 = arith.constant 0 : i32
      %scan3A_81 = arith.constant 32 : i32
      %scan3A_82 = arith.addi %scan3A_80, %scan3A_81 : i32
      %scan3A_83 = arith.constant 1 : i32
      scf.for %scan3A_190 = %scan3A_80 to %scan3A_82 step %scan3A_83  : i32 {
        %mul3A_191 = arith.constant 4 : i32
        %mul3A_192 = arith.muli %scan3A_190, %mul3A_191 : i32
        %add3A_193 = arith.constant 0 : i32
        %add3A_194 = arith.addi %mul3A_192, %add3A_193 : i32
        %get3A = arith.index_cast %add3A_194 : i32 to index
        %get3A_195 = arith.constant 0 : index
        %get3A_196 = tpu.vector_load %arg6[%get3A, %get3A_195] {strides = array<i32>} : memref<128x64xf32, #tpu.memory_space<vmem>>, vector<1x16xf32>,
        %get3A_197 = vector.shape_cast %get3A_196 : vector<1x16xf32> to vector<16xf32>
        %mul3A_198 = arith.constant 8.000000e+00 : f32
        %mul3A_199 = vector.broadcast %mul3A_198 : f32 to vector<16xf32>
        %mul3A_200 = arith.mulf %get3A_197, %mul3A_199 : vector<16xf32>
        %swap3A = arith.index_cast %add3A_194 : i32 to index
        %swap3A_201 = arith.constant 0 : index
        %swap3A_202 = tpu.vector_load %arg6[%swap3A, %swap3A_201] {strides = array<i32>} : memref<128x64xf32, #tpu.memory_space<vmem>>, vector<1x16xf32>,
        %swap3A_203 = vector.shape_cast %swap3A_202 : vector<1x16xf32> to vector<16xf32>
        %swap3A_204 = vector.shape_cast %mul3A_200 : vector<16xf32> to vector<1x16xf32>
        tpu.vector_store %arg6[%swap3A, %swap3A_201], %swap3A_204 {strides = array<i32>} : memref<128x64xf32, #tpu.memory_space<vmem>>, vector<1x16xf32>,
        %mul3A_205 = arith.constant 4 : i32
        %mul3A_206 = arith.muli %scan3A_190, %mul3A_205 : i32
        %add3A_207 = arith.constant 0 : i32
        %add3A_208 = arith.addi %mul3A_206, %add3A_207 : i32
        %get3A_209 = arith.index_cast %add3A_208 : i32 to index
        %get3A_210 = arith.constant 16 : index
        %get3A_211 = tpu.vector_load %arg6[%get3A_209, %get3A_210] {strides = array<i32>} : memref<128x64xf32, #tpu.memory_space<vmem>>, vector<1x16xf32>,
        %get3A_212 = vector.shape_cast %get3A_211 : vector<1x16xf32> to vector<16xf32>
        %mul3A_213 = arith.constant 8.000000e+00 : f32
        %mul3A_214 = vector.broadcast %mul3A_213 : f32 to vector<16xf32>
        %mul3A_215 = arith.mulf %get3A_212, %mul3A_214 : vector<16xf32>
        %swap3A_216 = arith.index_cast %add3A_208 : i32 to index
        %swap3A_217 = arith.constant 16 : index
        %swap3A_218 = tpu.vector_load %arg6[%swap3A_216, %swap3A_217] {strides = array<i32>} : memref<128x64xf32, #tpu.memory_space<vmem>>, vector<1x16xf32>,
        %swap3A_219 = vector.shape_cast %swap3A_218 : vector<1x16xf32> to vector<16xf32>
        %swap3A_220 = vector.shape_cast %mul3A_215 : vector<16xf32> to vector<1x16xf32>
        tpu.vector_store %arg6[%swap3A_216, %swap3A_217], %swap3A_220 {strides = array<i32>} : memref<128x64xf32, #tpu.memory_space<vmem>>, vector<1x16xf32>,
        %mul3A_221 = arith.constant 4 : i32
        %mul3A_222 = arith.muli %scan3A_190, %mul3A_221 : i32
        %add3A_223 = arith.constant 0 : i32
        %add3A_224 = arith.addi %mul3A_222, %add3A_223 : i32
        %get3A_225 = arith.index_cast %add3A_224 : i32 to index
        %get3A_226 = arith.constant 32 : index
        %get3A_227 = tpu.vector_load %arg6[%get3A_225, %get3A_226] {strides = array<i32>} : memref<128x64xf32, #tpu.memory_space<vmem>>, vector<1x16xf32>,
        %get3A_228 = vector.shape_cast %get3A_227 : vector<1x16xf32> to vector<16xf32>
        %mul3A_229 = arith.constant 8.000000e+00 : f32
        %mul3A_230 = vector.broadcast %mul3A_229 : f32 to vector<16xf32>
        %mul3A_231 = arith.mulf %get3A_228, %mul3A_230 : vector<16xf32>
        %swap3A_232 = arith.index_cast %add3A_224 : i32 to index
        %swap3A_233 = arith.constant 32 : index
        %swap3A_234 = tpu.vector_load %arg6[%swap3A_232, %swap3A_233] {strides = array<i32>} : memref<128x64xf32, #tpu.memory_space<vmem>>, vector<1x16xf32>,
        %swap3A_235 = vector.shape_cast %swap3A_234 : vector<1x16xf32> to vector<16xf32>
        %swap3A_236 = vector.shape_cast %mul3A_231 : vector<16xf32> to vector<1x16xf32>
        tpu.vector_store %arg6[%swap3A_232, %swap3A_233], %swap3A_236 {strides = array<i32>} : memref<128x64xf32, #tpu.memory_space<vmem>>, vector<1x16xf32>,
        %mul3A_237 = arith.constant 4 : i32
        %mul3A_238 = arith.muli %scan3A_190, %mul3A_237 : i32
        %add3A_239 = arith.constant 0 : i32
        %add3A_240 = arith.addi %mul3A_238, %add3A_239 : i32
        %get3A_241 = arith.index_cast %add3A_240 : i32 to index
        %get3A_242 = arith.constant 48 : index
        %get3A_243 = tpu.vector_load %arg6[%get3A_241, %get3A_242] {strides = array<i32>} : memref<128x64xf32, #tpu.memory_space<vmem>>, vector<1x16xf32>,
        %get3A_244 = vector.shape_cast %get3A_243 : vector<1x16xf32> to vector<16xf32>
        %mul3A_245 = arith.constant 8.000000e+00 : f32
        %mul3A_246 = vector.broadcast %mul3A_245 : f32 to vector<16xf32>
        %mul3A_247 = arith.mulf %get3A_244, %mul3A_246 : vector<16xf32>
        %swap3A_248 = arith.index_cast %add3A_240 : i32 to index
        %swap3A_249 = arith.constant 48 : index
        %swap3A_250 = tpu.vector_load %arg6[%swap3A_248, %swap3A_249] {strides = array<i32>} : memref<128x64xf32, #tpu.memory_space<vmem>>, vector<1x16xf32>,
        %swap3A_251 = vector.shape_cast %swap3A_250 : vector<1x16xf32> to vector<16xf32>
        %swap3A_252 = vector.shape_cast %mul3A_247 : vector<16xf32> to vector<1x16xf32>
        tpu.vector_store %arg6[%swap3A_248, %swap3A_249], %swap3A_252 {strides = array<i32>} : memref<128x64xf32, #tpu.memory_space<vmem>>, vector<1x16xf32>,
        %mul3A_253 = arith.constant 4 : i32
        %mul3A_254 = arith.muli %scan3A_190, %mul3A_253 : i32
        %add3A_255 = arith.constant 1 : i32
        %add3A_256 = arith.addi %mul3A_254, %add3A_255 : i32
        %get3A_257 = arith.index_cast %add3A_256 : i32 to index
        %get3A_258 = arith.constant 0 : index
        %get3A_259 = tpu.vector_load %arg6[%get3A_257, %get3A_258] {strides = array<i32>} : memref<128x64xf32, #tpu.memory_space<vmem>>, vector<1x16xf32>,
        %get3A_260 = vector.shape_cast %get3A_259 : vector<1x16xf32> to vector<16xf32>
        %mul3A_261 = arith.constant 8.000000e+00 : f32
        %mul3A_262 = vector.broadcast %mul3A_261 : f32 to vector<16xf32>
        %mul3A_263 = arith.mulf %get3A_260, %mul3A_262 : vector<16xf32>
        %swap3A_264 = arith.index_cast %add3A_256 : i32 to index
        %swap3A_265 = arith.constant 0 : index
        %swap3A_266 = tpu.vector_load %arg6[%swap3A_264, %swap3A_265] {strides = array<i32>} : memref<128x64xf32, #tpu.memory_space<vmem>>, vector<1x16xf32>,
        %swap3A_267 = vector.shape_cast %swap3A_266 : vector<1x16xf32> to vector<16xf32>
        %swap3A_268 = vector.shape_cast %mul3A_263 : vector<16xf32> to vector<1x16xf32>
        tpu.vector_store %arg6[%swap3A_264, %swap3A_265], %swap3A_268 {strides = array<i32>} : memref<128x64xf32, #tpu.memory_space<vmem>>, vector<1x16xf32>,
        %mul3A_269 = arith.constant 4 : i32
        %mul3A_270 = arith.muli %scan3A_190, %mul3A_269 : i32
        %add3A_271 = arith.constant 1 : i32
        %add3A_272 = arith.addi %mul3A_270, %add3A_271 : i32
        %get3A_273 = arith.index_cast %add3A_272 : i32 to index
        %get3A_274 = arith.constant 16 : index
        %get3A_275 = tpu.vector_load %arg6[%get3A_273, %get3A_274] {strides = array<i32>} : memref<128x64xf32, #tpu.memory_space<vmem>>, vector<1x16xf32>,
        %get3A_276 = vector.shape_cast %get3A_275 : vector<1x16xf32> to vector<16xf32>
        %mul3A_277 = arith.constant 8.000000e+00 : f32
        %mul3A_278 = vector.broadcast %mul3A_277 : f32 to vector<16xf32>
        %mul3A_279 = arith.mulf %get3A_276, %mul3A_278 : vector<16xf32>
        %swap3A_280 = arith.index_cast %add3A_272 : i32 to index
        %swap3A_281 = arith.constant 16 : index
        %swap3A_282 = tpu.vector_load %arg6[%swap3A_280, %swap3A_281] {strides = array<i32>} : memref<128x64xf32, #tpu.memory_space<vmem>>, vector<1x16xf32>,
        %swap3A_283 = vector.shape_cast %swap3A_282 : vector<1x16xf32> to vector<16xf32>
        %swap3A_284 = vector.shape_cast %mul3A_279 : vector<16xf32> to vector<1x16xf32>
        tpu.vector_store %arg6[%swap3A_280, %swap3A_281], %swap3A_284 {strides = array<i32>} : memref<128x64xf32, #tpu.memory_space<vmem>>, vector<1x16xf32>,
        %mul3A_285 = arith.constant 4 : i32
        %mul3A_286 = arith.muli %scan3A_190, %mul3A_285 : i32
        %add3A_287 = arith.constant 1 : i32
        %add3A_288 = arith.addi %mul3A_286, %add3A_287 : i32
        %get3A_289 = arith.index_cast %add3A_288 : i32 to index
        %get3A_290 = arith.constant 32 : index
        %get3A_291 = tpu.vector_load %arg6[%get3A_289, %get3A_290] {strides = array<i32>} : memref<128x64xf32, #tpu.memory_space<vmem>>, vector<1x16xf32>,
        %get3A_292 = vector.shape_cast %get3A_291 : vector<1x16xf32> to vector<16xf32>
        %mul3A_293 = arith.constant 8.000000e+00 : f32
        %mul3A_294 = vector.broadcast %mul3A_293 : f32 to vector<16xf32>
        %mul3A_295 = arith.mulf %get3A_292, %mul3A_294 : vector<16xf32>
        %swap3A_296 = arith.index_cast %add3A_288 : i32 to index
        %swap3A_297 = arith.constant 32 : index
        %swap3A_298 = tpu.vector_load %arg6[%swap3A_296, %swap3A_297] {strides = array<i32>} : memref<128x64xf32, #tpu.memory_space<vmem>>, vector<1x16xf32>,
        %swap3A_299 = vector.shape_cast %swap3A_298 : vector<1x16xf32> to vector<16xf32>
        %swap3A_300 = vector.shape_cast %mul3A_295 : vector<16xf32> to vector<1x16xf32>
        tpu.vector_store %arg6[%swap3A_296, %swap3A_297], %swap3A_300 {strides = array<i32>} : memref<128x64xf32, #tpu.memory_space<vmem>>, vector<1x16xf32>,
        %mul3A_301 = arith.constant 4 : i32
        %mul3A_302 = arith.muli %scan3A_190, %mul3A_301 : i32
        %add3A_303 = arith.constant 1 : i32
        %add3A_304 = arith.addi %mul3A_302, %add3A_303 : i32
        %get3A_305 = arith.index_cast %add3A_304 : i32 to index
        %get3A_306 = arith.constant 48 : index
        %get3A_307 = tpu.vector_load %arg6[%get3A_305, %get3A_306] {strides = array<i32>} : memref<128x64xf32, #tpu.memory_space<vmem>>, vector<1x16xf32>,
        %get3A_308 = vector.shape_cast %get3A_307 : vector<1x16xf32> to vector<16xf32>
        %mul3A_309 = arith.constant 8.000000e+00 : f32
        %mul3A_310 = vector.broadcast %mul3A_309 : f32 to vector<16xf32>
        %mul3A_311 = arith.mulf %get3A_308, %mul3A_310 : vector<16xf32>
        %swap3A_312 = arith.index_cast %add3A_304 : i32 to index
        %swap3A_313 = arith.constant 48 : index
        %swap3A_314 = tpu.vector_load %arg6[%swap3A_312, %swap3A_313] {strides = array<i32>} : memref<128x64xf32, #tpu.memory_space<vmem>>, vector<1x16xf32>,
        %swap3A_315 = vector.shape_cast %swap3A_314 : vector<1x16xf32> to vector<16xf32>
        %swap3A_316 = vector.shape_cast %mul3A_311 : vector<16xf32> to vector<1x16xf32>
        tpu.vector_store %arg6[%swap3A_312, %swap3A_313], %swap3A_316 {strides = array<i32>} : memref<128x64xf32, #tpu.memory_space<vmem>>, vector<1x16xf32>,
        %mul3A_317 = arith.constant 4 : i32
        %mul3A_318 = arith.muli %scan3A_190, %mul3A_317 : i32
        %add3A_319 = arith.constant 2 : i32
        %add3A_320 = arith.addi %mul3A_318, %add3A_319 : i32
        %get3A_321 = arith.index_cast %add3A_320 : i32 to index
        %get3A_322 = arith.constant 0 : index
        %get3A_323 = tpu.vector_load %arg6[%get3A_321, %get3A_322] {strides = array<i32>} : memref<128x64xf32, #tpu.memory_space<vmem>>, vector<1x16xf32>,
        %get3A_324 = vector.shape_cast %get3A_323 : vector<1x16xf32> to vector<16xf32>
        %mul3A_325 = arith.constant 8.000000e+00 : f32
        %mul3A_326 = vector.broadcast %mul3A_325 : f32 to vector<16xf32>
        %mul3A_327 = arith.mulf %get3A_324, %mul3A_326 : vector<16xf32>
        %swap3A_328 = arith.index_cast %add3A_320 : i32 to index
        %swap3A_329 = arith.constant 0 : index
        %swap3A_330 = tpu.vector_load %arg6[%swap3A_328, %swap3A_329] {strides = array<i32>} : memref<128x64xf32, #tpu.memory_space<vmem>>, vector<1x16xf32>,
        %swap3A_331 = vector.shape_cast %swap3A_330 : vector<1x16xf32> to vector<16xf32>
        %swap3A_332 = vector.shape_cast %mul3A_327 : vector<16xf32> to vector<1x16xf32>
        tpu.vector_store %arg6[%swap3A_328, %swap3A_329], %swap3A_332 {strides = array<i32>} : memref<128x64xf32, #tpu.memory_space<vmem>>, vector<1x16xf32>,
        %mul3A_333 = arith.constant 4 : i32
        %mul3A_334 = arith.muli %scan3A_190, %mul3A_333 : i32
        %add3A_335 = arith.constant 2 : i32
        %add3A_336 = arith.addi %mul3A_334, %add3A_335 : i32
        %get3A_337 = arith.index_cast %add3A_336 : i32 to index
        %get3A_338 = arith.constant 16 : index
        %get3A_339 = tpu.vector_load %arg6[%get3A_337, %get3A_338] {strides = array<i32>} : memref<128x64xf32, #tpu.memory_space<vmem>>, vector<1x16xf32>,
        %get3A_340 = vector.shape_cast %get3A_339 : vector<1x16xf32> to vector<16xf32>
        %mul3A_341 = arith.constant 8.000000e+00 : f32
        %mul3A_342 = vector.broadcast %mul3A_341 : f32 to vector<16xf32>
        %mul3A_343 = arith.mulf %get3A_340, %mul3A_342 : vector<16xf32>
        %swap3A_344 = arith.index_cast %add3A_336 : i32 to index
        %swap3A_345 = arith.constant 16 : index
        %swap3A_346 = tpu.vector_load %arg6[%swap3A_344, %swap3A_345] {strides = array<i32>} : memref<128x64xf32, #tpu.memory_space<vmem>>, vector<1x16xf32>,
        %swap3A_347 = vector.shape_cast %swap3A_346 : vector<1x16xf32> to vector<16xf32>
        %swap3A_348 = vector.shape_cast %mul3A_343 : vector<16xf32> to vector<1x16xf32>
        tpu.vector_store %arg6[%swap3A_344, %swap3A_345], %swap3A_348 {strides = array<i32>} : memref<128x64xf32, #tpu.memory_space<vmem>>, vector<1x16xf32>,
        %mul3A_349 = arith.constant 4 : i32
        %mul3A_350 = arith.muli %scan3A_190, %mul3A_349 : i32
        %add3A_351 = arith.constant 2 : i32
        %add3A_352 = arith.addi %mul3A_350, %add3A_351 : i32
        %get3A_353 = arith.index_cast %add3A_352 : i32 to index
        %get3A_354 = arith.constant 32 : index
        %get3A_355 = tpu.vector_load %arg6[%get3A_353, %get3A_354] {strides = array<i32>} : memref<128x64xf32, #tpu.memory_space<vmem>>, vector<1x16xf32>,
        %get3A_356 = vector.shape_cast %get3A_355 : vector<1x16xf32> to vector<16xf32>
        %mul3A_357 = arith.constant 8.000000e+00 : f32
        %mul3A_358 = vector.broadcast %mul3A_357 : f32 to vector<16xf32>
        %mul3A_359 = arith.mulf %get3A_356, %mul3A_358 : vector<16xf32>
        %swap3A_360 = arith.index_cast %add3A_352 : i32 to index
        %swap3A_361 = arith.constant 32 : index
        %swap3A_362 = tpu.vector_load %arg6[%swap3A_360, %swap3A_361] {strides = array<i32>} : memref<128x64xf32, #tpu.memory_space<vmem>>, vector<1x16xf32>,
        %swap3A_363 = vector.shape_cast %swap3A_362 : vector<1x16xf32> to vector<16xf32>
        %swap3A_364 = vector.shape_cast %mul3A_359 : vector<16xf32> to vector<1x16xf32>
        tpu.vector_store %arg6[%swap3A_360, %swap3A_361], %swap3A_364 {strides = array<i32>} : memref<128x64xf32, #tpu.memory_space<vmem>>, vector<1x16xf32>,
        %mul3A_365 = arith.constant 4 : i32
        %mul3A_366 = arith.muli %scan3A_190, %mul3A_365 : i32
        %add3A_367 = arith.constant 2 : i32
        %add3A_368 = arith.addi %mul3A_366, %add3A_367 : i32
        %get3A_369 = arith.index_cast %add3A_368 : i32 to index
        %get3A_370 = arith.constant 48 : index
        %get3A_371 = tpu.vector_load %arg6[%get3A_369, %get3A_370] {strides = array<i32>} : memref<128x64xf32, #tpu.memory_space<vmem>>, vector<1x16xf32>,
        %get3A_372 = vector.shape_cast %get3A_371 : vector<1x16xf32> to vector<16xf32>
        %mul3A_373 = arith.constant 8.000000e+00 : f32
        %mul3A_374 = vector.broadcast %mul3A_373 : f32 to vector<16xf32>
        %mul3A_375 = arith.mulf %get3A_372, %mul3A_374 : vector<16xf32>
        %swap3A_376 = arith.index_cast %add3A_368 : i32 to index
        %swap3A_377 = arith.constant 48 : index
        %swap3A_378 = tpu.vector_load %arg6[%swap3A_376, %swap3A_377] {strides = array<i32>} : memref<128x64xf32, #tpu.memory_space<vmem>>, vector<1x16xf32>,
        %swap3A_379 = vector.shape_cast %swap3A_378 : vector<1x16xf32> to vector<16xf32>
        %swap3A_380 = vector.shape_cast %mul3A_375 : vector<16xf32> to vector<1x16xf32>
        tpu.vector_store %arg6[%swap3A_376, %swap3A_377], %swap3A_380 {strides = array<i32>} : memref<128x64xf32, #tpu.memory_space<vmem>>, vector<1x16xf32>,
        %mul3A_381 = arith.constant 4 : i32
        %mul3A_382 = arith.muli %scan3A_190, %mul3A_381 : i32
        %add3A_383 = arith.constant 3 : i32
        %add3A_384 = arith.addi %mul3A_382, %add3A_383 : i32
        %get3A_385 = arith.index_cast %add3A_384 : i32 to index
        %get3A_386 = arith.constant 0 : index
        %get3A_387 = tpu.vector_load %arg6[%get3A_385, %get3A_386] {strides = array<i32>} : memref<128x64xf32, #tpu.memory_space<vmem>>, vector<1x16xf32>,
        %get3A_388 = vector.shape_cast %get3A_387 : vector<1x16xf32> to vector<16xf32>
        %mul3A_389 = arith.constant 8.000000e+00 : f32
        %mul3A_390 = vector.broadcast %mul3A_389 : f32 to vector<16xf32>
        %mul3A_391 = arith.mulf %get3A_388, %mul3A_390 : vector<16xf32>
        %swap3A_392 = arith.index_cast %add3A_384 : i32 to index
        %swap3A_393 = arith.constant 0 : index
        %swap3A_394 = tpu.vector_load %arg6[%swap3A_392, %swap3A_393] {strides = array<i32>} : memref<128x64xf32, #tpu.memory_space<vmem>>, vector<1x16xf32>,
        %swap3A_395 = vector.shape_cast %swap3A_394 : vector<1x16xf32> to vector<16xf32>
        %swap3A_396 = vector.shape_cast %mul3A_391 : vector<16xf32> to vector<1x16xf32>
        tpu.vector_store %arg6[%swap3A_392, %swap3A_393], %swap3A_396 {strides = array<i32>} : memref<128x64xf32, #tpu.memory_space<vmem>>, vector<1x16xf32>,
        %mul3A_397 = arith.constant 4 : i32
        %mul3A_398 = arith.muli %scan3A_190, %mul3A_397 : i32
        %add3A_399 = arith.constant 3 : i32
        %add3A_400 = arith.addi %mul3A_398, %add3A_399 : i32
        %get3A_401 = arith.index_cast %add3A_400 : i32 to index
        %get3A_402 = arith.constant 16 : index
        %get3A_403 = tpu.vector_load %arg6[%get3A_401, %get3A_402] {strides = array<i32>} : memref<128x64xf32, #tpu.memory_space<vmem>>, vector<1x16xf32>,
        %get3A_404 = vector.shape_cast %get3A_403 : vector<1x16xf32> to vector<16xf32>
        %mul3A_405 = arith.constant 8.000000e+00 : f32
        %mul3A_406 = vector.broadcast %mul3A_405 : f32 to vector<16xf32>
        %mul3A_407 = arith.mulf %get3A_404, %mul3A_406 : vector<16xf32>
        %swap3A_408 = arith.index_cast %add3A_400 : i32 to index
        %swap3A_409 = arith.constant 16 : index
        %swap3A_410 = tpu.vector_load %arg6[%swap3A_408, %swap3A_409] {strides = array<i32>} : memref<128x64xf32, #tpu.memory_space<vmem>>, vector<1x16xf32>,
        %swap3A_411 = vector.shape_cast %swap3A_410 : vector<1x16xf32> to vector<16xf32>
        %swap3A_412 = vector.shape_cast %mul3A_407 : vector<16xf32> to vector<1x16xf32>
        tpu.vector_store %arg6[%swap3A_408, %swap3A_409], %swap3A_412 {strides = array<i32>} : memref<128x64xf32, #tpu.memory_space<vmem>>, vector<1x16xf32>,
        %mul3A_413 = arith.constant 4 : i32
        %mul3A_414 = arith.muli %scan3A_190, %mul3A_413 : i32
        %add3A_415 = arith.constant 3 : i32
        %add3A_416 = arith.addi %mul3A_414, %add3A_415 : i32
        %get3A_417 = arith.index_cast %add3A_416 : i32 to index
        %get3A_418 = arith.constant 32 : index
        %get3A_419 = tpu.vector_load %arg6[%get3A_417, %get3A_418] {strides = array<i32>} : memref<128x64xf32, #tpu.memory_space<vmem>>, vector<1x16xf32>,
        %get3A_420 = vector.shape_cast %get3A_419 : vector<1x16xf32> to vector<16xf32>
        %mul3A_421 = arith.constant 8.000000e+00 : f32
        %mul3A_422 = vector.broadcast %mul3A_421 : f32 to vector<16xf32>
        %mul3A_423 = arith.mulf %get3A_420, %mul3A_422 : vector<16xf32>
        %swap3A_424 = arith.index_cast %add3A_416 : i32 to index
        %swap3A_425 = arith.constant 32 : index
        %swap3A_426 = tpu.vector_load %arg6[%swap3A_424, %swap3A_425] {strides = array<i32>} : memref<128x64xf32, #tpu.memory_space<vmem>>, vector<1x16xf32>,
        %swap3A_427 = vector.shape_cast %swap3A_426 : vector<1x16xf32> to vector<16xf32>
        %swap3A_428 = vector.shape_cast %mul3A_423 : vector<16xf32> to vector<1x16xf32>
        tpu.vector_store %arg6[%swap3A_424, %swap3A_425], %swap3A_428 {strides = array<i32>} : memref<128x64xf32, #tpu.memory_space<vmem>>, vector<1x16xf32>,
        %mul3A_429 = arith.constant 4 : i32
        %mul3A_430 = arith.muli %scan3A_190, %mul3A_429 : i32
        %add3A_431 = arith.constant 3 : i32
        %add3A_432 = arith.addi %mul3A_430, %add3A_431 : i32
        %get3A_433 = arith.index_cast %add3A_432 : i32 to index
        %get3A_434 = arith.constant 48 : index
        %get3A_435 = tpu.vector_load %arg6[%get3A_433, %get3A_434] {strides = array<i32>} : memref<128x64xf32, #tpu.memory_space<vmem>>, vector<1x16xf32>,
        %get3A_436 = vector.shape_cast %get3A_435 : vector<1x16xf32> to vector<16xf32>
        %mul3A_437 = arith.constant 8.000000e+00 : f32
        %mul3A_438 = vector.broadcast %mul3A_437 : f32 to vector<16xf32>
        %mul3A_439 = arith.mulf %get3A_436, %mul3A_438 : vector<16xf32>
        %swap3A_440 = arith.index_cast %add3A_432 : i32 to index
        %swap3A_441 = arith.constant 48 : index
        %swap3A_442 = tpu.vector_load %arg6[%swap3A_440, %swap3A_441] {strides = array<i32>} : memref<128x64xf32, #tpu.memory_space<vmem>>, vector<1x16xf32>,
        %swap3A_443 = vector.shape_cast %swap3A_442 : vector<1x16xf32> to vector<16xf32>
        %swap3A_444 = vector.shape_cast %mul3A_439 : vector<16xf32> to vector<1x16xf32>
        tpu.vector_store %arg6[%swap3A_440, %swap3A_441], %swap3A_444 {strides = array<i32>} : memref<128x64xf32, #tpu.memory_space<vmem>>, vector<1x16xf32>,
      }
      %scan3A_84 = arith.constant 32 : i32
      %dma_start3A_85 = arith.constant 0 : i32
      %dma_start3A_86 = arith.constant 0 : i32
      %dma_start3A_87 = tpu.memref_slice %arg4[%add3A, %add3A_72, %dma_start3A_85, %dma_start3A_86] : memref<32x200x128x64xf32, #tpu.memory_space<hbm>> -> memref<1x1x128x64xf32, #tpu.memory_space<hbm>>
      %dma_start3A_88 = tpu.memref_squeeze %dma_start3A_87 : memref<1x1x128x64xf32, #tpu.memory_space<hbm>> -> memref<128x64xf32, #tpu.memory_space<hbm>>
      %dma_start3A_89 = arith.constant 0 : i32
      %dma_start3A_90 = arith.constant 0 : i32
      %dma_start3A_91 = tpu.memref_slice %arg4[%add3A, %add3A_72, %dma_start3A_89, %dma_start3A_90] : memref<32x200x128x64xf32, #tpu.memory_space<hbm>> -> memref<1x1x128x64xf32, #tpu.memory_space<hbm>>
      %dma_start3A_92 = tpu.memref_squeeze %dma_start3A_91 : memref<1x1x128x64xf32, #tpu.memory_space<hbm>> -> memref<128x64xf32, #tpu.memory_space<hbm>>
      tpu.enqueue_dma source(%arg6 : memref<128x64xf32, #tpu.memory_space<vmem>>) target(%dma_start3A_92 : memref<128x64xf32, #tpu.memory_space<hbm>>) target_semaphore(%arg14 : memref<!tpu.dma_semaphore, #tpu.memory_space<semaphore_mem>>)
      %add3A_93 = arith.constant 4 : i32
      %add3A_94 = arith.addi %add3A_72, %add3A_93 : i32
      %lt3A = arith.constant 200 : i32
      %lt3A_95 = arith.cmpi slt, %add3A_94, %lt3A : i32
      %convert_element_type3A = arith.extui %lt3A_95 : i1 to i32
      %cond3A = arith.constant 0 : i32
      %cond3A_96 = arith.cmpi ne, %convert_element_type3A, %cond3A : i32
      scf.if %cond3A_96 {
        %dma_wait3A_190 = arith.constant 0 : i32
        %dma_wait3A_191 = arith.constant 0 : i32
        %dma_wait3A_192 = tpu.memref_slice %arg4[%add3A, %add3A_72, %dma_wait3A_190, %dma_wait3A_191] : memref<32x200x128x64xf32, #tpu.memory_space<hbm>> -> memref<1x1x128x64xf32, #tpu.memory_space<hbm>>
        %dma_wait3A_193 = tpu.memref_squeeze %dma_wait3A_192 : memref<1x1x128x64xf32, #tpu.memory_space<hbm>> -> memref<128x64xf32, #tpu.memory_space<hbm>>
        %dma_wait3A_194 = arith.constant 0 : i32
        %dma_wait3A_195 = arith.constant 0 : i32
        %dma_wait3A_196 = tpu.memref_slice %arg4[%add3A, %add3A_72, %dma_wait3A_194, %dma_wait3A_195] : memref<32x200x128x64xf32, #tpu.memory_space<hbm>> -> memref<1x1x128x64xf32, #tpu.memory_space<hbm>>
        %dma_wait3A_197 = tpu.memref_squeeze %dma_wait3A_196 : memref<1x1x128x64xf32, #tpu.memory_space<hbm>> -> memref<128x64xf32, #tpu.memory_space<hbm>>
        tpu.wait_dma2 semaphore(%arg14 : memref<!tpu.dma_semaphore, #tpu.memory_space<semaphore_mem>>) src(%arg6 : memref<128x64xf32, #tpu.memory_space<vmem>>) dst(%dma_wait3A_197 : memref<128x64xf32, #tpu.memory_space<hbm>>)
        %dma_start3A_198 = arith.constant 0 : i32
        %dma_start3A_199 = tpu.memref_slice %arg5[%add3A_94, %dma_start3A_198] : memref<200x128xi32, #tpu.memory_space<vmem>> -> memref<1x128xi32, #tpu.memory_space<vmem>>
        %dma_start3A_200 = tpu.memref_squeeze %dma_start3A_199 : memref<1x128xi32, #tpu.memory_space<vmem>> -> memref<128xi32, #tpu.memory_space<vmem>>
        %dma_start3A_201 = arith.constant 0 : i32
        %dma_start3A_202 = arith.constant 0 : i32
        %dma_start3A_203 = tpu.memref_slice %arg3[%dma_start3A_201, %dma_start3A_202] : memref<1000000x64xf32, #tpu.memory_space<hbm>> -> memref<1000000x64xf32, #tpu.memory_space<hbm>>
        tpu.enqueue_indirect_dma source(%dma_start3A_203 : memref<1000000x64xf32, #tpu.memory_space<hbm>>) target(%arg6 : memref<128x64xf32, #tpu.memory_space<vmem>>) offsets(%dma_start3A_200 : memref<128xi32, #tpu.memory_space<vmem>>) semaphore(%arg10 : memref<!tpu.dma_semaphore, #tpu.memory_space<semaphore_mem>>)
      } else {
      }
      %mul3A_97 = arith.constant 4 : i32
      %mul3A_98 = arith.muli %scan3A_68, %mul3A_97 : i32
      %add3A_99 = arith.constant 1 : i32
      %add3A_100 = arith.addi %mul3A_98, %add3A_99 : i32
      %dma_wait3A_101 = arith.constant 0 : i32
      %dma_wait3A_102 = tpu.memref_slice %arg5[%add3A_100, %dma_wait3A_101] : memref<200x128xi32, #tpu.memory_space<vmem>> -> memref<1x128xi32, #tpu.memory_space<vmem>>
      %dma_wait3A_103 = tpu.memref_squeeze %dma_wait3A_102 : memref<1x128xi32, #tpu.memory_space<vmem>> -> memref<128xi32, #tpu.memory_space<vmem>>
      %dma_wait3A_104 = arith.constant 0 : i32
      %dma_wait3A_105 = arith.constant 0 : i32
      %dma_wait3A_106 = tpu.memref_slice %arg3[%dma_wait3A_104, %dma_wait3A_105] : memref<1000000x64xf32, #tpu.memory_space<hbm>> -> memref<1000000x64xf32, #tpu.memory_space<hbm>>
      tpu.wait_indirect_dma semaphore(%arg11 : memref<!tpu.dma_semaphore, #tpu.memory_space<semaphore_mem>>) src(%dma_wait3A_106 : memref<1000000x64xf32, #tpu.memory_space<hbm>>) dst(%arg7 : memref<128x64xf32, #tpu.memory_space<vmem>>)
      %scan3A_107 = arith.constant 0 : i32
      %scan3A_108 = arith.constant 0 : i32
      %scan3A_109 = arith.constant 32 : i32
      %scan3A_110 = arith.addi %scan3A_108, %scan3A_109 : i32
      %scan3A_111 = arith.constant 1 : i32
      scf.for %scan3A_190 = %scan3A_108 to %scan3A_110 step %scan3A_111  : i32 {
        %mul3A_191 = arith.constant 4 : i32
        %mul3A_192 = arith.muli %scan3A_190, %mul3A_191 : i32
        %add3A_193 = arith.constant 0 : i32
        %add3A_194 = arith.addi %mul3A_192, %add3A_193 : i32
        %get3A = arith.index_cast %add3A_194 : i32 to index
        %get3A_195 = arith.constant 0 : index
        %get3A_196 = tpu.vector_load %arg7[%get3A, %get3A_195] {strides = array<i32>} : memref<128x64xf32, #tpu.memory_space<vmem>>, vector<1x16xf32>,
        %get3A_197 = vector.shape_cast %get3A_196 : vector<1x16xf32> to vector<16xf32>
        %mul3A_198 = arith.constant 8.000000e+00 : f32
        %mul3A_199 = vector.broadcast %mul3A_198 : f32 to vector<16xf32>
        %mul3A_200 = arith.mulf %get3A_197, %mul3A_199 : vector<16xf32>
        %swap3A = arith.index_cast %add3A_194 : i32 to index
        %swap3A_201 = arith.constant 0 : index
        %swap3A_202 = tpu.vector_load %arg7[%swap3A, %swap3A_201] {strides = array<i32>} : memref<128x64xf32, #tpu.memory_space<vmem>>, vector<1x16xf32>,
        %swap3A_203 = vector.shape_cast %swap3A_202 : vector<1x16xf32> to vector<16xf32>
        %swap3A_204 = vector.shape_cast %mul3A_200 : vector<16xf32> to vector<1x16xf32>
        tpu.vector_store %arg7[%swap3A, %swap3A_201], %swap3A_204 {strides = array<i32>} : memref<128x64xf32, #tpu.memory_space<vmem>>, vector<1x16xf32>,
        %mul3A_205 = arith.constant 4 : i32
        %mul3A_206 = arith.muli %scan3A_190, %mul3A_205 : i32
        %add3A_207 = arith.constant 0 : i32
        %add3A_208 = arith.addi %mul3A_206, %add3A_207 : i32
        %get3A_209 = arith.index_cast %add3A_208 : i32 to index
        %get3A_210 = arith.constant 16 : index
        %get3A_211 = tpu.vector_load %arg7[%get3A_209, %get3A_210] {strides = array<i32>} : memref<128x64xf32, #tpu.memory_space<vmem>>, vector<1x16xf32>,
        %get3A_212 = vector.shape_cast %get3A_211 : vector<1x16xf32> to vector<16xf32>
        %mul3A_213 = arith.constant 8.000000e+00 : f32
        %mul3A_214 = vector.broadcast %mul3A_213 : f32 to vector<16xf32>
        %mul3A_215 = arith.mulf %get3A_212, %mul3A_214 : vector<16xf32>
        %swap3A_216 = arith.index_cast %add3A_208 : i32 to index
        %swap3A_217 = arith.constant 16 : index
        %swap3A_218 = tpu.vector_load %arg7[%swap3A_216, %swap3A_217] {strides = array<i32>} : memref<128x64xf32, #tpu.memory_space<vmem>>, vector<1x16xf32>,
        %swap3A_219 = vector.shape_cast %swap3A_218 : vector<1x16xf32> to vector<16xf32>
        %swap3A_220 = vector.shape_cast %mul3A_215 : vector<16xf32> to vector<1x16xf32>
        tpu.vector_store %arg7[%swap3A_216, %swap3A_217], %swap3A_220 {strides = array<i32>} : memref<128x64xf32, #tpu.memory_space<vmem>>, vector<1x16xf32>,
        %mul3A_221 = arith.constant 4 : i32
        %mul3A_222 = arith.muli %scan3A_190, %mul3A_221 : i32
        %add3A_223 = arith.constant 0 : i32
        %add3A_224 = arith.addi %mul3A_222, %add3A_223 : i32
        %get3A_225 = arith.index_cast %add3A_224 : i32 to index
        %get3A_226 = arith.constant 32 : index
        %get3A_227 = tpu.vector_load %arg7[%get3A_225, %get3A_226] {strides = array<i32>} : memref<128x64xf32, #tpu.memory_space<vmem>>, vector<1x16xf32>,
        %get3A_228 = vector.shape_cast %get3A_227 : vector<1x16xf32> to vector<16xf32>
        %mul3A_229 = arith.constant 8.000000e+00 : f32
        %mul3A_230 = vector.broadcast %mul3A_229 : f32 to vector<16xf32>
        %mul3A_231 = arith.mulf %get3A_228, %mul3A_230 : vector<16xf32>
        %swap3A_232 = arith.index_cast %add3A_224 : i32 to index
        %swap3A_233 = arith.constant 32 : index
        %swap3A_234 = tpu.vector_load %arg7[%swap3A_232, %swap3A_233] {strides = array<i32>} : memref<128x64xf32, #tpu.memory_space<vmem>>, vector<1x16xf32>,
        %swap3A_235 = vector.shape_cast %swap3A_234 : vector<1x16xf32> to vector<16xf32>
        %swap3A_236 = vector.shape_cast %mul3A_231 : vector<16xf32> to vector<1x16xf32>
        tpu.vector_store %arg7[%swap3A_232, %swap3A_233], %swap3A_236 {strides = array<i32>} : memref<128x64xf32, #tpu.memory_space<vmem>>, vector<1x16xf32>,
        %mul3A_237 = arith.constant 4 : i32
        %mul3A_238 = arith.muli %scan3A_190, %mul3A_237 : i32
        %add3A_239 = arith.constant 0 : i32
        %add3A_240 = arith.addi %mul3A_238, %add3A_239 : i32
        %get3A_241 = arith.index_cast %add3A_240 : i32 to index
        %get3A_242 = arith.constant 48 : index
        %get3A_243 = tpu.vector_load %arg7[%get3A_241, %get3A_242] {strides = array<i32>} : memref<128x64xf32, #tpu.memory_space<vmem>>, vector<1x16xf32>,
        %get3A_244 = vector.shape_cast %get3A_243 : vector<1x16xf32> to vector<16xf32>
        %mul3A_245 = arith.constant 8.000000e+00 : f32
        %mul3A_246 = vector.broadcast %mul3A_245 : f32 to vector<16xf32>
        %mul3A_247 = arith.mulf %get3A_244, %mul3A_246 : vector<16xf32>
        %swap3A_248 = arith.index_cast %add3A_240 : i32 to index
        %swap3A_249 = arith.constant 48 : index
        %swap3A_250 = tpu.vector_load %arg7[%swap3A_248, %swap3A_249] {strides = array<i32>} : memref<128x64xf32, #tpu.memory_space<vmem>>, vector<1x16xf32>,
        %swap3A_251 = vector.shape_cast %swap3A_250 : vector<1x16xf32> to vector<16xf32>
        %swap3A_252 = vector.shape_cast %mul3A_247 : vector<16xf32> to vector<1x16xf32>
        tpu.vector_store %arg7[%swap3A_248, %swap3A_249], %swap3A_252 {strides = array<i32>} : memref<128x64xf32, #tpu.memory_space<vmem>>, vector<1x16xf32>,
        %mul3A_253 = arith.constant 4 : i32
        %mul3A_254 = arith.muli %scan3A_190, %mul3A_253 : i32
        %add3A_255 = arith.constant 1 : i32
        %add3A_256 = arith.addi %mul3A_254, %add3A_255 : i32
        %get3A_257 = arith.index_cast %add3A_256 : i32 to index
        %get3A_258 = arith.constant 0 : index
        %get3A_259 = tpu.vector_load %arg7[%get3A_257, %get3A_258] {strides = array<i32>} : memref<128x64xf32, #tpu.memory_space<vmem>>, vector<1x16xf32>,
        %get3A_260 = vector.shape_cast %get3A_259 : vector<1x16xf32> to vector<16xf32>
        %mul3A_261 = arith.constant 8.000000e+00 : f32
        %mul3A_262 = vector.broadcast %mul3A_261 : f32 to vector<16xf32>
        %mul3A_263 = arith.mulf %get3A_260, %mul3A_262 : vector<16xf32>
        %swap3A_264 = arith.index_cast %add3A_256 : i32 to index
        %swap3A_265 = arith.constant 0 : index
        %swap3A_266 = tpu.vector_load %arg7[%swap3A_264, %swap3A_265] {strides = array<i32>} : memref<128x64xf32, #tpu.memory_space<vmem>>, vector<1x16xf32>,
        %swap3A_267 = vector.shape_cast %swap3A_266 : vector<1x16xf32> to vector<16xf32>
        %swap3A_268 = vector.shape_cast %mul3A_263 : vector<16xf32> to vector<1x16xf32>
        tpu.vector_store %arg7[%swap3A_264, %swap3A_265], %swap3A_268 {strides = array<i32>} : memref<128x64xf32, #tpu.memory_space<vmem>>, vector<1x16xf32>,
        %mul3A_269 = arith.constant 4 : i32
        %mul3A_270 = arith.muli %scan3A_190, %mul3A_269 : i32
        %add3A_271 = arith.constant 1 : i32
        %add3A_272 = arith.addi %mul3A_270, %add3A_271 : i32
        %get3A_273 = arith.index_cast %add3A_272 : i32 to index
        %get3A_274 = arith.constant 16 : index
        %get3A_275 = tpu.vector_load %arg7[%get3A_273, %get3A_274] {strides = array<i32>} : memref<128x64xf32, #tpu.memory_space<vmem>>, vector<1x16xf32>,
        %get3A_276 = vector.shape_cast %get3A_275 : vector<1x16xf32> to vector<16xf32>
        %mul3A_277 = arith.constant 8.000000e+00 : f32
        %mul3A_278 = vector.broadcast %mul3A_277 : f32 to vector<16xf32>
        %mul3A_279 = arith.mulf %get3A_276, %mul3A_278 : vector<16xf32>
        %swap3A_280 = arith.index_cast %add3A_272 : i32 to index
        %swap3A_281 = arith.constant 16 : index
        %swap3A_282 = tpu.vector_load %arg7[%swap3A_280, %swap3A_281] {strides = array<i32>} : memref<128x64xf32, #tpu.memory_space<vmem>>, vector<1x16xf32>,
        %swap3A_283 = vector.shape_cast %swap3A_282 : vector<1x16xf32> to vector<16xf32>
        %swap3A_284 = vector.shape_cast %mul3A_279 : vector<16xf32> to vector<1x16xf32>
        tpu.vector_store %arg7[%swap3A_280, %swap3A_281], %swap3A_284 {strides = array<i32>} : memref<128x64xf32, #tpu.memory_space<vmem>>, vector<1x16xf32>,
        %mul3A_285 = arith.constant 4 : i32
        %mul3A_286 = arith.muli %scan3A_190, %mul3A_285 : i32
        %add3A_287 = arith.constant 1 : i32
        %add3A_288 = arith.addi %mul3A_286, %add3A_287 : i32
        %get3A_289 = arith.index_cast %add3A_288 : i32 to index
        %get3A_290 = arith.constant 32 : index
        %get3A_291 = tpu.vector_load %arg7[%get3A_289, %get3A_290] {strides = array<i32>} : memref<128x64xf32, #tpu.memory_space<vmem>>, vector<1x16xf32>,
        %get3A_292 = vector.shape_cast %get3A_291 : vector<1x16xf32> to vector<16xf32>
        %mul3A_293 = arith.constant 8.000000e+00 : f32
        %mul3A_294 = vector.broadcast %mul3A_293 : f32 to vector<16xf32>
        %mul3A_295 = arith.mulf %get3A_292, %mul3A_294 : vector<16xf32>
        %swap3A_296 = arith.index_cast %add3A_288 : i32 to index
        %swap3A_297 = arith.constant 32 : index
        %swap3A_298 = tpu.vector_load %arg7[%swap3A_296, %swap3A_297] {strides = array<i32>} : memref<128x64xf32, #tpu.memory_space<vmem>>, vector<1x16xf32>,
        %swap3A_299 = vector.shape_cast %swap3A_298 : vector<1x16xf32> to vector<16xf32>
        %swap3A_300 = vector.shape_cast %mul3A_295 : vector<16xf32> to vector<1x16xf32>
        tpu.vector_store %arg7[%swap3A_296, %swap3A_297], %swap3A_300 {strides = array<i32>} : memref<128x64xf32, #tpu.memory_space<vmem>>, vector<1x16xf32>,
        %mul3A_301 = arith.constant 4 : i32
        %mul3A_302 = arith.muli %scan3A_190, %mul3A_301 : i32
        %add3A_303 = arith.constant 1 : i32
        %add3A_304 = arith.addi %mul3A_302, %add3A_303 : i32
        %get3A_305 = arith.index_cast %add3A_304 : i32 to index
        %get3A_306 = arith.constant 48 : index
        %get3A_307 = tpu.vector_load %arg7[%get3A_305, %get3A_306] {strides = array<i32>} : memref<128x64xf32, #tpu.memory_space<vmem>>, vector<1x16xf32>,
        %get3A_308 = vector.shape_cast %get3A_307 : vector<1x16xf32> to vector<16xf32>
        %mul3A_309 = arith.constant 8.000000e+00 : f32
        %mul3A_310 = vector.broadcast %mul3A_309 : f32 to vector<16xf32>
        %mul3A_311 = arith.mulf %get3A_308, %mul3A_310 : vector<16xf32>
        %swap3A_312 = arith.index_cast %add3A_304 : i32 to index
        %swap3A_313 = arith.constant 48 : index
        %swap3A_314 = tpu.vector_load %arg7[%swap3A_312, %swap3A_313] {strides = array<i32>} : memref<128x64xf32, #tpu.memory_space<vmem>>, vector<1x16xf32>,
        %swap3A_315 = vector.shape_cast %swap3A_314 : vector<1x16xf32> to vector<16xf32>
        %swap3A_316 = vector.shape_cast %mul3A_311 : vector<16xf32> to vector<1x16xf32>
        tpu.vector_store %arg7[%swap3A_312, %swap3A_313], %swap3A_316 {strides = array<i32>} : memref<128x64xf32, #tpu.memory_space<vmem>>, vector<1x16xf32>,
        %mul3A_317 = arith.constant 4 : i32
        %mul3A_318 = arith.muli %scan3A_190, %mul3A_317 : i32
        %add3A_319 = arith.constant 2 : i32
        %add3A_320 = arith.addi %mul3A_318, %add3A_319 : i32
        %get3A_321 = arith.index_cast %add3A_320 : i32 to index
        %get3A_322 = arith.constant 0 : index
        %get3A_323 = tpu.vector_load %arg7[%get3A_321, %get3A_322] {strides = array<i32>} : memref<128x64xf32, #tpu.memory_space<vmem>>, vector<1x16xf32>,
        %get3A_324 = vector.shape_cast %get3A_323 : vector<1x16xf32> to vector<16xf32>
        %mul3A_325 = arith.constant 8.000000e+00 : f32
        %mul3A_326 = vector.broadcast %mul3A_325 : f32 to vector<16xf32>
        %mul3A_327 = arith.mulf %get3A_324, %mul3A_326 : vector<16xf32>
        %swap3A_328 = arith.index_cast %add3A_320 : i32 to index
        %swap3A_329 = arith.constant 0 : index
        %swap3A_330 = tpu.vector_load %arg7[%swap3A_328, %swap3A_329] {strides = array<i32>} : memref<128x64xf32, #tpu.memory_space<vmem>>, vector<1x16xf32>,
        %swap3A_331 = vector.shape_cast %swap3A_330 : vector<1x16xf32> to vector<16xf32>
        %swap3A_332 = vector.shape_cast %mul3A_327 : vector<16xf32> to vector<1x16xf32>
        tpu.vector_store %arg7[%swap3A_328, %swap3A_329], %swap3A_332 {strides = array<i32>} : memref<128x64xf32, #tpu.memory_space<vmem>>, vector<1x16xf32>,
        %mul3A_333 = arith.constant 4 : i32
        %mul3A_334 = arith.muli %scan3A_190, %mul3A_333 : i32
        %add3A_335 = arith.constant 2 : i32
        %add3A_336 = arith.addi %mul3A_334, %add3A_335 : i32
        %get3A_337 = arith.index_cast %add3A_336 : i32 to index
        %get3A_338 = arith.constant 16 : index
        %get3A_339 = tpu.vector_load %arg7[%get3A_337, %get3A_338] {strides = array<i32>} : memref<128x64xf32, #tpu.memory_space<vmem>>, vector<1x16xf32>,
        %get3A_340 = vector.shape_cast %get3A_339 : vector<1x16xf32> to vector<16xf32>
        %mul3A_341 = arith.constant 8.000000e+00 : f32
        %mul3A_342 = vector.broadcast %mul3A_341 : f32 to vector<16xf32>
        %mul3A_343 = arith.mulf %get3A_340, %mul3A_342 : vector<16xf32>
        %swap3A_344 = arith.index_cast %add3A_336 : i32 to index
        %swap3A_345 = arith.constant 16 : index
        %swap3A_346 = tpu.vector_load %arg7[%swap3A_344, %swap3A_345] {strides = array<i32>} : memref<128x64xf32, #tpu.memory_space<vmem>>, vector<1x16xf32>,
        %swap3A_347 = vector.shape_cast %swap3A_346 : vector<1x16xf32> to vector<16xf32>
        %swap3A_348 = vector.shape_cast %mul3A_343 : vector<16xf32> to vector<1x16xf32>
        tpu.vector_store %arg7[%swap3A_344, %swap3A_345], %swap3A_348 {strides = array<i32>} : memref<128x64xf32, #tpu.memory_space<vmem>>, vector<1x16xf32>,
        %mul3A_349 = arith.constant 4 : i32
        %mul3A_350 = arith.muli %scan3A_190, %mul3A_349 : i32
        %add3A_351 = arith.constant 2 : i32
        %add3A_352 = arith.addi %mul3A_350, %add3A_351 : i32
        %get3A_353 = arith.index_cast %add3A_352 : i32 to index
        %get3A_354 = arith.constant 32 : index
        %get3A_355 = tpu.vector_load %arg7[%get3A_353, %get3A_354] {strides = array<i32>} : memref<128x64xf32, #tpu.memory_space<vmem>>, vector<1x16xf32>,
        %get3A_356 = vector.shape_cast %get3A_355 : vector<1x16xf32> to vector<16xf32>
        %mul3A_357 = arith.constant 8.000000e+00 : f32
        %mul3A_358 = vector.broadcast %mul3A_357 : f32 to vector<16xf32>
        %mul3A_359 = arith.mulf %get3A_356, %mul3A_358 : vector<16xf32>
        %swap3A_360 = arith.index_cast %add3A_352 : i32 to index
        %swap3A_361 = arith.constant 32 : index
        %swap3A_362 = tpu.vector_load %arg7[%swap3A_360, %swap3A_361] {strides = array<i32>} : memref<128x64xf32, #tpu.memory_space<vmem>>, vector<1x16xf32>,
        %swap3A_363 = vector.shape_cast %swap3A_362 : vector<1x16xf32> to vector<16xf32>
        %swap3A_364 = vector.shape_cast %mul3A_359 : vector<16xf32> to vector<1x16xf32>
        tpu.vector_store %arg7[%swap3A_360, %swap3A_361], %swap3A_364 {strides = array<i32>} : memref<128x64xf32, #tpu.memory_space<vmem>>, vector<1x16xf32>,
        %mul3A_365 = arith.constant 4 : i32
        %mul3A_366 = arith.muli %scan3A_190, %mul3A_365 : i32
        %add3A_367 = arith.constant 2 : i32
        %add3A_368 = arith.addi %mul3A_366, %add3A_367 : i32
        %get3A_369 = arith.index_cast %add3A_368 : i32 to index
        %get3A_370 = arith.constant 48 : index
        %get3A_371 = tpu.vector_load %arg7[%get3A_369, %get3A_370] {strides = array<i32>} : memref<128x64xf32, #tpu.memory_space<vmem>>, vector<1x16xf32>,
        %get3A_372 = vector.shape_cast %get3A_371 : vector<1x16xf32> to vector<16xf32>
        %mul3A_373 = arith.constant 8.000000e+00 : f32
        %mul3A_374 = vector.broadcast %mul3A_373 : f32 to vector<16xf32>
        %mul3A_375 = arith.mulf %get3A_372, %mul3A_374 : vector<16xf32>
        %swap3A_376 = arith.index_cast %add3A_368 : i32 to index
        %swap3A_377 = arith.constant 48 : index
        %swap3A_378 = tpu.vector_load %arg7[%swap3A_376, %swap3A_377] {strides = array<i32>} : memref<128x64xf32, #tpu.memory_space<vmem>>, vector<1x16xf32>,
        %swap3A_379 = vector.shape_cast %swap3A_378 : vector<1x16xf32> to vector<16xf32>
        %swap3A_380 = vector.shape_cast %mul3A_375 : vector<16xf32> to vector<1x16xf32>
        tpu.vector_store %arg7[%swap3A_376, %swap3A_377], %swap3A_380 {strides = array<i32>} : memref<128x64xf32, #tpu.memory_space<vmem>>, vector<1x16xf32>,
        %mul3A_381 = arith.constant 4 : i32
        %mul3A_382 = arith.muli %scan3A_190, %mul3A_381 : i32
        %add3A_383 = arith.constant 3 : i32
        %add3A_384 = arith.addi %mul3A_382, %add3A_383 : i32
        %get3A_385 = arith.index_cast %add3A_384 : i32 to index
        %get3A_386 = arith.constant 0 : index
        %get3A_387 = tpu.vector_load %arg7[%get3A_385, %get3A_386] {strides = array<i32>} : memref<128x64xf32, #tpu.memory_space<vmem>>, vector<1x16xf32>,
        %get3A_388 = vector.shape_cast %get3A_387 : vector<1x16xf32> to vector<16xf32>
        %mul3A_389 = arith.constant 8.000000e+00 : f32
        %mul3A_390 = vector.broadcast %mul3A_389 : f32 to vector<16xf32>
        %mul3A_391 = arith.mulf %get3A_388, %mul3A_390 : vector<16xf32>
        %swap3A_392 = arith.index_cast %add3A_384 : i32 to index
        %swap3A_393 = arith.constant 0 : index
        %swap3A_394 = tpu.vector_load %arg7[%swap3A_392, %swap3A_393] {strides = array<i32>} : memref<128x64xf32, #tpu.memory_space<vmem>>, vector<1x16xf32>,
        %swap3A_395 = vector.shape_cast %swap3A_394 : vector<1x16xf32> to vector<16xf32>
        %swap3A_396 = vector.shape_cast %mul3A_391 : vector<16xf32> to vector<1x16xf32>
        tpu.vector_store %arg7[%swap3A_392, %swap3A_393], %swap3A_396 {strides = array<i32>} : memref<128x64xf32, #tpu.memory_space<vmem>>, vector<1x16xf32>,
        %mul3A_397 = arith.constant 4 : i32
        %mul3A_398 = arith.muli %scan3A_190, %mul3A_397 : i32
        %add3A_399 = arith.constant 3 : i32
        %add3A_400 = arith.addi %mul3A_398, %add3A_399 : i32
        %get3A_401 = arith.index_cast %add3A_400 : i32 to index
        %get3A_402 = arith.constant 16 : index
        %get3A_403 = tpu.vector_load %arg7[%get3A_401, %get3A_402] {strides = array<i32>} : memref<128x64xf32, #tpu.memory_space<vmem>>, vector<1x16xf32>,
        %get3A_404 = vector.shape_cast %get3A_403 : vector<1x16xf32> to vector<16xf32>
        %mul3A_405 = arith.constant 8.000000e+00 : f32
        %mul3A_406 = vector.broadcast %mul3A_405 : f32 to vector<16xf32>
        %mul3A_407 = arith.mulf %get3A_404, %mul3A_406 : vector<16xf32>
        %swap3A_408 = arith.index_cast %add3A_400 : i32 to index
        %swap3A_409 = arith.constant 16 : index
        %swap3A_410 = tpu.vector_load %arg7[%swap3A_408, %swap3A_409] {strides = array<i32>} : memref<128x64xf32, #tpu.memory_space<vmem>>, vector<1x16xf32>,
        %swap3A_411 = vector.shape_cast %swap3A_410 : vector<1x16xf32> to vector<16xf32>
        %swap3A_412 = vector.shape_cast %mul3A_407 : vector<16xf32> to vector<1x16xf32>
        tpu.vector_store %arg7[%swap3A_408, %swap3A_409], %swap3A_412 {strides = array<i32>} : memref<128x64xf32, #tpu.memory_space<vmem>>, vector<1x16xf32>,
        %mul3A_413 = arith.constant 4 : i32
        %mul3A_414 = arith.muli %scan3A_190, %mul3A_413 : i32
        %add3A_415 = arith.constant 3 : i32
        %add3A_416 = arith.addi %mul3A_414, %add3A_415 : i32
        %get3A_417 = arith.index_cast %add3A_416 : i32 to index
        %get3A_418 = arith.constant 32 : index
        %get3A_419 = tpu.vector_load %arg7[%get3A_417, %get3A_418] {strides = array<i32>} : memref<128x64xf32, #tpu.memory_space<vmem>>, vector<1x16xf32>,
        %get3A_420 = vector.shape_cast %get3A_419 : vector<1x16xf32> to vector<16xf32>
        %mul3A_421 = arith.constant 8.000000e+00 : f32
        %mul3A_422 = vector.broadcast %mul3A_421 : f32 to vector<16xf32>
        %mul3A_423 = arith.mulf %get3A_420, %mul3A_422 : vector<16xf32>
        %swap3A_424 = arith.index_cast %add3A_416 : i32 to index
        %swap3A_425 = arith.constant 32 : index
        %swap3A_426 = tpu.vector_load %arg7[%swap3A_424, %swap3A_425] {strides = array<i32>} : memref<128x64xf32, #tpu.memory_space<vmem>>, vector<1x16xf32>,
        %swap3A_427 = vector.shape_cast %swap3A_426 : vector<1x16xf32> to vector<16xf32>
        %swap3A_428 = vector.shape_cast %mul3A_423 : vector<16xf32> to vector<1x16xf32>
        tpu.vector_store %arg7[%swap3A_424, %swap3A_425], %swap3A_428 {strides = array<i32>} : memref<128x64xf32, #tpu.memory_space<vmem>>, vector<1x16xf32>,
        %mul3A_429 = arith.constant 4 : i32
        %mul3A_430 = arith.muli %scan3A_190, %mul3A_429 : i32
        %add3A_431 = arith.constant 3 : i32
        %add3A_432 = arith.addi %mul3A_430, %add3A_431 : i32
        %get3A_433 = arith.index_cast %add3A_432 : i32 to index
        %get3A_434 = arith.constant 48 : index
        %get3A_435 = tpu.vector_load %arg7[%get3A_433, %get3A_434] {strides = array<i32>} : memref<128x64xf32, #tpu.memory_space<vmem>>, vector<1x16xf32>,
        %get3A_436 = vector.shape_cast %get3A_435 : vector<1x16xf32> to vector<16xf32>
        %mul3A_437 = arith.constant 8.000000e+00 : f32
        %mul3A_438 = vector.broadcast %mul3A_437 : f32 to vector<16xf32>
        %mul3A_439 = arith.mulf %get3A_436, %mul3A_438 : vector<16xf32>
        %swap3A_440 = arith.index_cast %add3A_432 : i32 to index
        %swap3A_441 = arith.constant 48 : index
        %swap3A_442 = tpu.vector_load %arg7[%swap3A_440, %swap3A_441] {strides = array<i32>} : memref<128x64xf32, #tpu.memory_space<vmem>>, vector<1x16xf32>,
        %swap3A_443 = vector.shape_cast %swap3A_442 : vector<1x16xf32> to vector<16xf32>
        %swap3A_444 = vector.shape_cast %mul3A_439 : vector<16xf32> to vector<1x16xf32>
        tpu.vector_store %arg7[%swap3A_440, %swap3A_441], %swap3A_444 {strides = array<i32>} : memref<128x64xf32, #tpu.memory_space<vmem>>, vector<1x16xf32>,
      }
      %scan3A_112 = arith.constant 32 : i32
      %dma_start3A_113 = arith.constant 0 : i32
      %dma_start3A_114 = arith.constant 0 : i32
      %dma_start3A_115 = tpu.memref_slice %arg4[%add3A, %add3A_100, %dma_start3A_113, %dma_start3A_114] : memref<32x200x128x64xf32, #tpu.memory_space<hbm>> -> memref<1x1x128x64xf32, #tpu.memory_space<hbm>>
      %dma_start3A_116 = tpu.memref_squeeze %dma_start3A_115 : memref<1x1x128x64xf32, #tpu.memory_space<hbm>> -> memref<128x64xf32, #tpu.memory_space<hbm>>
      %dma_start3A_117 = arith.constant 0 : i32
      %dma_start3A_118 = arith.constant 0 : i32
      %dma_start3A_119 = tpu.memref_slice %arg4[%add3A, %add3A_100, %dma_start3A_117, %dma_start3A_118] : memref<32x200x128x64xf32, #tpu.memory_space<hbm>> -> memref<1x1x128x64xf32, #tpu.memory_space<hbm>>
      %dma_start3A_120 = tpu.memref_squeeze %dma_start3A_119 : memref<1x1x128x64xf32, #tpu.memory_space<hbm>> -> memref<128x64xf32, #tpu.memory_space<hbm>>
      tpu.enqueue_dma source(%arg7 : memref<128x64xf32, #tpu.memory_space<vmem>>) target(%dma_start3A_120 : memref<128x64xf32, #tpu.memory_space<hbm>>) target_semaphore(%arg15 : memref<!tpu.dma_semaphore, #tpu.memory_space<semaphore_mem>>)
      %add3A_121 = arith.constant 4 : i32
      %add3A_122 = arith.addi %add3A_100, %add3A_121 : i32
      %lt3A_123 = arith.constant 200 : i32
      %lt3A_124 = arith.cmpi slt, %add3A_122, %lt3A_123 : i32
      %convert_element_type3A_125 = arith.extui %lt3A_124 : i1 to i32
      %cond3A_126 = arith.constant 0 : i32
      %cond3A_127 = arith.cmpi ne, %convert_element_type3A_125, %cond3A_126 : i32
      scf.if %cond3A_127 {
        %dma_wait3A_190 = arith.constant 0 : i32
        %dma_wait3A_191 = arith.constant 0 : i32
        %dma_wait3A_192 = tpu.memref_slice %arg4[%add3A, %add3A_100, %dma_wait3A_190, %dma_wait3A_191] : memref<32x200x128x64xf32, #tpu.memory_space<hbm>> -> memref<1x1x128x64xf32, #tpu.memory_space<hbm>>
        %dma_wait3A_193 = tpu.memref_squeeze %dma_wait3A_192 : memref<1x1x128x64xf32, #tpu.memory_space<hbm>> -> memref<128x64xf32, #tpu.memory_space<hbm>>
        %dma_wait3A_194 = arith.constant 0 : i32
        %dma_wait3A_195 = arith.constant 0 : i32
        %dma_wait3A_196 = tpu.memref_slice %arg4[%add3A, %add3A_100, %dma_wait3A_194, %dma_wait3A_195] : memref<32x200x128x64xf32, #tpu.memory_space<hbm>> -> memref<1x1x128x64xf32, #tpu.memory_space<hbm>>
        %dma_wait3A_197 = tpu.memref_squeeze %dma_wait3A_196 : memref<1x1x128x64xf32, #tpu.memory_space<hbm>> -> memref<128x64xf32, #tpu.memory_space<hbm>>
        tpu.wait_dma2 semaphore(%arg15 : memref<!tpu.dma_semaphore, #tpu.memory_space<semaphore_mem>>) src(%arg7 : memref<128x64xf32, #tpu.memory_space<vmem>>) dst(%dma_wait3A_197 : memref<128x64xf32, #tpu.memory_space<hbm>>)
        %dma_start3A_198 = arith.constant 0 : i32
        %dma_start3A_199 = tpu.memref_slice %arg5[%add3A_122, %dma_start3A_198] : memref<200x128xi32, #tpu.memory_space<vmem>> -> memref<1x128xi32, #tpu.memory_space<vmem>>
        %dma_start3A_200 = tpu.memref_squeeze %dma_start3A_199 : memref<1x128xi32, #tpu.memory_space<vmem>> -> memref<128xi32, #tpu.memory_space<vmem>>
        %dma_start3A_201 = arith.constant 0 : i32
        %dma_start3A_202 = arith.constant 0 : i32
        %dma_start3A_203 = tpu.memref_slice %arg3[%dma_start3A_201, %dma_start3A_202] : memref<1000000x64xf32, #tpu.memory_space<hbm>> -> memref<1000000x64xf32, #tpu.memory_space<hbm>>
        tpu.enqueue_indirect_dma source(%dma_start3A_203 : memref<1000000x64xf32, #tpu.memory_space<hbm>>) target(%arg7 : memref<128x64xf32, #tpu.memory_space<vmem>>) offsets(%dma_start3A_200 : memref<128xi32, #tpu.memory_space<vmem>>) semaphore(%arg11 : memref<!tpu.dma_semaphore, #tpu.memory_space<semaphore_mem>>)
      } else {
      }
      %mul3A_128 = arith.constant 4 : i32
      %mul3A_129 = arith.muli %scan3A_68, %mul3A_128 : i32
      %add3A_130 = arith.constant 2 : i32
      %add3A_131 = arith.addi %mul3A_129, %add3A_130 : i32
      %dma_wait3A_132 = arith.constant 0 : i32
      %dma_wait3A_133 = tpu.memref_slice %arg5[%add3A_131, %dma_wait3A_132] : memref<200x128xi32, #tpu.memory_space<vmem>> -> memref<1x128xi32, #tpu.memory_space<vmem>>
      %dma_wait3A_134 = tpu.memref_squeeze %dma_wait3A_133 : memref<1x128xi32, #tpu.memory_space<vmem>> -> memref<128xi32, #tpu.memory_space<vmem>>
      %dma_wait3A_135 = arith.constant 0 : i32
      %dma_wait3A_136 = arith.constant 0 : i32
      %dma_wait3A_137 = tpu.memref_slice %arg3[%dma_wait3A_135, %dma_wait3A_136] : memref<1000000x64xf32, #tpu.memory_space<hbm>> -> memref<1000000x64xf32, #tpu.memory_space<hbm>>
      tpu.wait_indirect_dma semaphore(%arg12 : memref<!tpu.dma_semaphore, #tpu.memory_space<semaphore_mem>>) src(%dma_wait3A_137 : memref<1000000x64xf32, #tpu.memory_space<hbm>>) dst(%arg8 : memref<128x64xf32, #tpu.memory_space<vmem>>)
      %scan3A_138 = arith.constant 0 : i32
      %scan3A_139 = arith.constant 0 : i32
      %scan3A_140 = arith.constant 32 : i32
      %scan3A_141 = arith.addi %scan3A_139, %scan3A_140 : i32
      %scan3A_142 = arith.constant 1 : i32
      scf.for %scan3A_190 = %scan3A_139 to %scan3A_141 step %scan3A_142  : i32 {
        %mul3A_191 = arith.constant 4 : i32
        %mul3A_192 = arith.muli %scan3A_190, %mul3A_191 : i32
        %add3A_193 = arith.constant 0 : i32
        %add3A_194 = arith.addi %mul3A_192, %add3A_193 : i32
        %get3A = arith.index_cast %add3A_194 : i32 to index
        %get3A_195 = arith.constant 0 : index
        %get3A_196 = tpu.vector_load %arg8[%get3A, %get3A_195] {strides = array<i32>} : memref<128x64xf32, #tpu.memory_space<vmem>>, vector<1x16xf32>,
        %get3A_197 = vector.shape_cast %get3A_196 : vector<1x16xf32> to vector<16xf32>
        %mul3A_198 = arith.constant 8.000000e+00 : f32
        %mul3A_199 = vector.broadcast %mul3A_198 : f32 to vector<16xf32>
        %mul3A_200 = arith.mulf %get3A_197, %mul3A_199 : vector<16xf32>
        %swap3A = arith.index_cast %add3A_194 : i32 to index
        %swap3A_201 = arith.constant 0 : index
        %swap3A_202 = tpu.vector_load %arg8[%swap3A, %swap3A_201] {strides = array<i32>} : memref<128x64xf32, #tpu.memory_space<vmem>>, vector<1x16xf32>,
        %swap3A_203 = vector.shape_cast %swap3A_202 : vector<1x16xf32> to vector<16xf32>
        %swap3A_204 = vector.shape_cast %mul3A_200 : vector<16xf32> to vector<1x16xf32>
        tpu.vector_store %arg8[%swap3A, %swap3A_201], %swap3A_204 {strides = array<i32>} : memref<128x64xf32, #tpu.memory_space<vmem>>, vector<1x16xf32>,
        %mul3A_205 = arith.constant 4 : i32
        %mul3A_206 = arith.muli %scan3A_190, %mul3A_205 : i32
        %add3A_207 = arith.constant 0 : i32
        %add3A_208 = arith.addi %mul3A_206, %add3A_207 : i32
        %get3A_209 = arith.index_cast %add3A_208 : i32 to index
        %get3A_210 = arith.constant 16 : index
        %get3A_211 = tpu.vector_load %arg8[%get3A_209, %get3A_210] {strides = array<i32>} : memref<128x64xf32, #tpu.memory_space<vmem>>, vector<1x16xf32>,
        %get3A_212 = vector.shape_cast %get3A_211 : vector<1x16xf32> to vector<16xf32>
        %mul3A_213 = arith.constant 8.000000e+00 : f32
        %mul3A_214 = vector.broadcast %mul3A_213 : f32 to vector<16xf32>
        %mul3A_215 = arith.mulf %get3A_212, %mul3A_214 : vector<16xf32>
        %swap3A_216 = arith.index_cast %add3A_208 : i32 to index
        %swap3A_217 = arith.constant 16 : index
        %swap3A_218 = tpu.vector_load %arg8[%swap3A_216, %swap3A_217] {strides = array<i32>} : memref<128x64xf32, #tpu.memory_space<vmem>>, vector<1x16xf32>,
        %swap3A_219 = vector.shape_cast %swap3A_218 : vector<1x16xf32> to vector<16xf32>
        %swap3A_220 = vector.shape_cast %mul3A_215 : vector<16xf32> to vector<1x16xf32>
        tpu.vector_store %arg8[%swap3A_216, %swap3A_217], %swap3A_220 {strides = array<i32>} : memref<128x64xf32, #tpu.memory_space<vmem>>, vector<1x16xf32>,
        %mul3A_221 = arith.constant 4 : i32
        %mul3A_222 = arith.muli %scan3A_190, %mul3A_221 : i32
        %add3A_223 = arith.constant 0 : i32
        %add3A_224 = arith.addi %mul3A_222, %add3A_223 : i32
        %get3A_225 = arith.index_cast %add3A_224 : i32 to index
        %get3A_226 = arith.constant 32 : index
        %get3A_227 = tpu.vector_load %arg8[%get3A_225, %get3A_226] {strides = array<i32>} : memref<128x64xf32, #tpu.memory_space<vmem>>, vector<1x16xf32>,
        %get3A_228 = vector.shape_cast %get3A_227 : vector<1x16xf32> to vector<16xf32>
        %mul3A_229 = arith.constant 8.000000e+00 : f32
        %mul3A_230 = vector.broadcast %mul3A_229 : f32 to vector<16xf32>
        %mul3A_231 = arith.mulf %get3A_228, %mul3A_230 : vector<16xf32>
        %swap3A_232 = arith.index_cast %add3A_224 : i32 to index
        %swap3A_233 = arith.constant 32 : index
        %swap3A_234 = tpu.vector_load %arg8[%swap3A_232, %swap3A_233] {strides = array<i32>} : memref<128x64xf32, #tpu.memory_space<vmem>>, vector<1x16xf32>,
        %swap3A_235 = vector.shape_cast %swap3A_234 : vector<1x16xf32> to vector<16xf32>
        %swap3A_236 = vector.shape_cast %mul3A_231 : vector<16xf32> to vector<1x16xf32>
        tpu.vector_store %arg8[%swap3A_232, %swap3A_233], %swap3A_236 {strides = array<i32>} : memref<128x64xf32, #tpu.memory_space<vmem>>, vector<1x16xf32>,
        %mul3A_237 = arith.constant 4 : i32
        %mul3A_238 = arith.muli %scan3A_190, %mul3A_237 : i32
        %add3A_239 = arith.constant 0 : i32
        %add3A_240 = arith.addi %mul3A_238, %add3A_239 : i32
        %get3A_241 = arith.index_cast %add3A_240 : i32 to index
        %get3A_242 = arith.constant 48 : index
        %get3A_243 = tpu.vector_load %arg8[%get3A_241, %get3A_242] {strides = array<i32>} : memref<128x64xf32, #tpu.memory_space<vmem>>, vector<1x16xf32>,
        %get3A_244 = vector.shape_cast %get3A_243 : vector<1x16xf32> to vector<16xf32>
        %mul3A_245 = arith.constant 8.000000e+00 : f32
        %mul3A_246 = vector.broadcast %mul3A_245 : f32 to vector<16xf32>
        %mul3A_247 = arith.mulf %get3A_244, %mul3A_246 : vector<16xf32>
        %swap3A_248 = arith.index_cast %add3A_240 : i32 to index
        %swap3A_249 = arith.constant 48 : index
        %swap3A_250 = tpu.vector_load %arg8[%swap3A_248, %swap3A_249] {strides = array<i32>} : memref<128x64xf32, #tpu.memory_space<vmem>>, vector<1x16xf32>,
        %swap3A_251 = vector.shape_cast %swap3A_250 : vector<1x16xf32> to vector<16xf32>
        %swap3A_252 = vector.shape_cast %mul3A_247 : vector<16xf32> to vector<1x16xf32>
        tpu.vector_store %arg8[%swap3A_248, %swap3A_249], %swap3A_252 {strides = array<i32>} : memref<128x64xf32, #tpu.memory_space<vmem>>, vector<1x16xf32>,
        %mul3A_253 = arith.constant 4 : i32
        %mul3A_254 = arith.muli %scan3A_190, %mul3A_253 : i32
        %add3A_255 = arith.constant 1 : i32
        %add3A_256 = arith.addi %mul3A_254, %add3A_255 : i32
        %get3A_257 = arith.index_cast %add3A_256 : i32 to index
        %get3A_258 = arith.constant 0 : index
        %get3A_259 = tpu.vector_load %arg8[%get3A_257, %get3A_258] {strides = array<i32>} : memref<128x64xf32, #tpu.memory_space<vmem>>, vector<1x16xf32>,
        %get3A_260 = vector.shape_cast %get3A_259 : vector<1x16xf32> to vector<16xf32>
        %mul3A_261 = arith.constant 8.000000e+00 : f32
        %mul3A_262 = vector.broadcast %mul3A_261 : f32 to vector<16xf32>
        %mul3A_263 = arith.mulf %get3A_260, %mul3A_262 : vector<16xf32>
        %swap3A_264 = arith.index_cast %add3A_256 : i32 to index
        %swap3A_265 = arith.constant 0 : index
        %swap3A_266 = tpu.vector_load %arg8[%swap3A_264, %swap3A_265] {strides = array<i32>} : memref<128x64xf32, #tpu.memory_space<vmem>>, vector<1x16xf32>,
        %swap3A_267 = vector.shape_cast %swap3A_266 : vector<1x16xf32> to vector<16xf32>
        %swap3A_268 = vector.shape_cast %mul3A_263 : vector<16xf32> to vector<1x16xf32>
        tpu.vector_store %arg8[%swap3A_264, %swap3A_265], %swap3A_268 {strides = array<i32>} : memref<128x64xf32, #tpu.memory_space<vmem>>, vector<1x16xf32>,
        %mul3A_269 = arith.constant 4 : i32
        %mul3A_270 = arith.muli %scan3A_190, %mul3A_269 : i32
        %add3A_271 = arith.constant 1 : i32
        %add3A_272 = arith.addi %mul3A_270, %add3A_271 : i32
        %get3A_273 = arith.index_cast %add3A_272 : i32 to index
        %get3A_274 = arith.constant 16 : index
        %get3A_275 = tpu.vector_load %arg8[%get3A_273, %get3A_274] {strides = array<i32>} : memref<128x64xf32, #tpu.memory_space<vmem>>, vector<1x16xf32>,
        %get3A_276 = vector.shape_cast %get3A_275 : vector<1x16xf32> to vector<16xf32>
        %mul3A_277 = arith.constant 8.000000e+00 : f32
        %mul3A_278 = vector.broadcast %mul3A_277 : f32 to vector<16xf32>
        %mul3A_279 = arith.mulf %get3A_276, %mul3A_278 : vector<16xf32>
        %swap3A_280 = arith.index_cast %add3A_272 : i32 to index
        %swap3A_281 = arith.constant 16 : index
        %swap3A_282 = tpu.vector_load %arg8[%swap3A_280, %swap3A_281] {strides = array<i32>} : memref<128x64xf32, #tpu.memory_space<vmem>>, vector<1x16xf32>,
        %swap3A_283 = vector.shape_cast %swap3A_282 : vector<1x16xf32> to vector<16xf32>
        %swap3A_284 = vector.shape_cast %mul3A_279 : vector<16xf32> to vector<1x16xf32>
        tpu.vector_store %arg8[%swap3A_280, %swap3A_281], %swap3A_284 {strides = array<i32>} : memref<128x64xf32, #tpu.memory_space<vmem>>, vector<1x16xf32>,
        %mul3A_285 = arith.constant 4 : i32
        %mul3A_286 = arith.muli %scan3A_190, %mul3A_285 : i32
        %add3A_287 = arith.constant 1 : i32
        %add3A_288 = arith.addi %mul3A_286, %add3A_287 : i32
        %get3A_289 = arith.index_cast %add3A_288 : i32 to index
        %get3A_290 = arith.constant 32 : index
        %get3A_291 = tpu.vector_load %arg8[%get3A_289, %get3A_290] {strides = array<i32>} : memref<128x64xf32, #tpu.memory_space<vmem>>, vector<1x16xf32>,
        %get3A_292 = vector.shape_cast %get3A_291 : vector<1x16xf32> to vector<16xf32>
        %mul3A_293 = arith.constant 8.000000e+00 : f32
        %mul3A_294 = vector.broadcast %mul3A_293 : f32 to vector<16xf32>
        %mul3A_295 = arith.mulf %get3A_292, %mul3A_294 : vector<16xf32>
        %swap3A_296 = arith.index_cast %add3A_288 : i32 to index
        %swap3A_297 = arith.constant 32 : index
        %swap3A_298 = tpu.vector_load %arg8[%swap3A_296, %swap3A_297] {strides = array<i32>} : memref<128x64xf32, #tpu.memory_space<vmem>>, vector<1x16xf32>,
        %swap3A_299 = vector.shape_cast %swap3A_298 : vector<1x16xf32> to vector<16xf32>
        %swap3A_300 = vector.shape_cast %mul3A_295 : vector<16xf32> to vector<1x16xf32>
        tpu.vector_store %arg8[%swap3A_296, %swap3A_297], %swap3A_300 {strides = array<i32>} : memref<128x64xf32, #tpu.memory_space<vmem>>, vector<1x16xf32>,
        %mul3A_301 = arith.constant 4 : i32
        %mul3A_302 = arith.muli %scan3A_190, %mul3A_301 : i32
        %add3A_303 = arith.constant 1 : i32
        %add3A_304 = arith.addi %mul3A_302, %add3A_303 : i32
        %get3A_305 = arith.index_cast %add3A_304 : i32 to index
        %get3A_306 = arith.constant 48 : index
        %get3A_307 = tpu.vector_load %arg8[%get3A_305, %get3A_306] {strides = array<i32>} : memref<128x64xf32, #tpu.memory_space<vmem>>, vector<1x16xf32>,
        %get3A_308 = vector.shape_cast %get3A_307 : vector<1x16xf32> to vector<16xf32>
        %mul3A_309 = arith.constant 8.000000e+00 : f32
        %mul3A_310 = vector.broadcast %mul3A_309 : f32 to vector<16xf32>
        %mul3A_311 = arith.mulf %get3A_308, %mul3A_310 : vector<16xf32>
        %swap3A_312 = arith.index_cast %add3A_304 : i32 to index
        %swap3A_313 = arith.constant 48 : index
        %swap3A_314 = tpu.vector_load %arg8[%swap3A_312, %swap3A_313] {strides = array<i32>} : memref<128x64xf32, #tpu.memory_space<vmem>>, vector<1x16xf32>,
        %swap3A_315 = vector.shape_cast %swap3A_314 : vector<1x16xf32> to vector<16xf32>
        %swap3A_316 = vector.shape_cast %mul3A_311 : vector<16xf32> to vector<1x16xf32>
        tpu.vector_store %arg8[%swap3A_312, %swap3A_313], %swap3A_316 {strides = array<i32>} : memref<128x64xf32, #tpu.memory_space<vmem>>, vector<1x16xf32>,
        %mul3A_317 = arith.constant 4 : i32
        %mul3A_318 = arith.muli %scan3A_190, %mul3A_317 : i32
        %add3A_319 = arith.constant 2 : i32
        %add3A_320 = arith.addi %mul3A_318, %add3A_319 : i32
        %get3A_321 = arith.index_cast %add3A_320 : i32 to index
        %get3A_322 = arith.constant 0 : index
        %get3A_323 = tpu.vector_load %arg8[%get3A_321, %get3A_322] {strides = array<i32>} : memref<128x64xf32, #tpu.memory_space<vmem>>, vector<1x16xf32>,
        %get3A_324 = vector.shape_cast %get3A_323 : vector<1x16xf32> to vector<16xf32>
        %mul3A_325 = arith.constant 8.000000e+00 : f32
        %mul3A_326 = vector.broadcast %mul3A_325 : f32 to vector<16xf32>
        %mul3A_327 = arith.mulf %get3A_324, %mul3A_326 : vector<16xf32>
        %swap3A_328 = arith.index_cast %add3A_320 : i32 to index
        %swap3A_329 = arith.constant 0 : index
        %swap3A_330 = tpu.vector_load %arg8[%swap3A_328, %swap3A_329] {strides = array<i32>} : memref<128x64xf32, #tpu.memory_space<vmem>>, vector<1x16xf32>,
        %swap3A_331 = vector.shape_cast %swap3A_330 : vector<1x16xf32> to vector<16xf32>
        %swap3A_332 = vector.shape_cast %mul3A_327 : vector<16xf32> to vector<1x16xf32>
        tpu.vector_store %arg8[%swap3A_328, %swap3A_329], %swap3A_332 {strides = array<i32>} : memref<128x64xf32, #tpu.memory_space<vmem>>, vector<1x16xf32>,
        %mul3A_333 = arith.constant 4 : i32
        %mul3A_334 = arith.muli %scan3A_190, %mul3A_333 : i32
        %add3A_335 = arith.constant 2 : i32
        %add3A_336 = arith.addi %mul3A_334, %add3A_335 : i32
        %get3A_337 = arith.index_cast %add3A_336 : i32 to index
        %get3A_338 = arith.constant 16 : index
        %get3A_339 = tpu.vector_load %arg8[%get3A_337, %get3A_338] {strides = array<i32>} : memref<128x64xf32, #tpu.memory_space<vmem>>, vector<1x16xf32>,
        %get3A_340 = vector.shape_cast %get3A_339 : vector<1x16xf32> to vector<16xf32>
        %mul3A_341 = arith.constant 8.000000e+00 : f32
        %mul3A_342 = vector.broadcast %mul3A_341 : f32 to vector<16xf32>
        %mul3A_343 = arith.mulf %get3A_340, %mul3A_342 : vector<16xf32>
        %swap3A_344 = arith.index_cast %add3A_336 : i32 to index
        %swap3A_345 = arith.constant 16 : index
        %swap3A_346 = tpu.vector_load %arg8[%swap3A_344, %swap3A_345] {strides = array<i32>} : memref<128x64xf32, #tpu.memory_space<vmem>>, vector<1x16xf32>,
        %swap3A_347 = vector.shape_cast %swap3A_346 : vector<1x16xf32> to vector<16xf32>
        %swap3A_348 = vector.shape_cast %mul3A_343 : vector<16xf32> to vector<1x16xf32>
        tpu.vector_store %arg8[%swap3A_344, %swap3A_345], %swap3A_348 {strides = array<i32>} : memref<128x64xf32, #tpu.memory_space<vmem>>, vector<1x16xf32>,
        %mul3A_349 = arith.constant 4 : i32
        %mul3A_350 = arith.muli %scan3A_190, %mul3A_349 : i32
        %add3A_351 = arith.constant 2 : i32
        %add3A_352 = arith.addi %mul3A_350, %add3A_351 : i32
        %get3A_353 = arith.index_cast %add3A_352 : i32 to index
        %get3A_354 = arith.constant 32 : index
        %get3A_355 = tpu.vector_load %arg8[%get3A_353, %get3A_354] {strides = array<i32>} : memref<128x64xf32, #tpu.memory_space<vmem>>, vector<1x16xf32>,
        %get3A_356 = vector.shape_cast %get3A_355 : vector<1x16xf32> to vector<16xf32>
        %mul3A_357 = arith.constant 8.000000e+00 : f32
        %mul3A_358 = vector.broadcast %mul3A_357 : f32 to vector<16xf32>
        %mul3A_359 = arith.mulf %get3A_356, %mul3A_358 : vector<16xf32>
        %swap3A_360 = arith.index_cast %add3A_352 : i32 to index
        %swap3A_361 = arith.constant 32 : index
        %swap3A_362 = tpu.vector_load %arg8[%swap3A_360, %swap3A_361] {strides = array<i32>} : memref<128x64xf32, #tpu.memory_space<vmem>>, vector<1x16xf32>,
        %swap3A_363 = vector.shape_cast %swap3A_362 : vector<1x16xf32> to vector<16xf32>
        %swap3A_364 = vector.shape_cast %mul3A_359 : vector<16xf32> to vector<1x16xf32>
        tpu.vector_store %arg8[%swap3A_360, %swap3A_361], %swap3A_364 {strides = array<i32>} : memref<128x64xf32, #tpu.memory_space<vmem>>, vector<1x16xf32>,
        %mul3A_365 = arith.constant 4 : i32
        %mul3A_366 = arith.muli %scan3A_190, %mul3A_365 : i32
        %add3A_367 = arith.constant 2 : i32
        %add3A_368 = arith.addi %mul3A_366, %add3A_367 : i32
        %get3A_369 = arith.index_cast %add3A_368 : i32 to index
        %get3A_370 = arith.constant 48 : index
        %get3A_371 = tpu.vector_load %arg8[%get3A_369, %get3A_370] {strides = array<i32>} : memref<128x64xf32, #tpu.memory_space<vmem>>, vector<1x16xf32>,
        %get3A_372 = vector.shape_cast %get3A_371 : vector<1x16xf32> to vector<16xf32>
        %mul3A_373 = arith.constant 8.000000e+00 : f32
        %mul3A_374 = vector.broadcast %mul3A_373 : f32 to vector<16xf32>
        %mul3A_375 = arith.mulf %get3A_372, %mul3A_374 : vector<16xf32>
        %swap3A_376 = arith.index_cast %add3A_368 : i32 to index
        %swap3A_377 = arith.constant 48 : index
        %swap3A_378 = tpu.vector_load %arg8[%swap3A_376, %swap3A_377] {strides = array<i32>} : memref<128x64xf32, #tpu.memory_space<vmem>>, vector<1x16xf32>,
        %swap3A_379 = vector.shape_cast %swap3A_378 : vector<1x16xf32> to vector<16xf32>
        %swap3A_380 = vector.shape_cast %mul3A_375 : vector<16xf32> to vector<1x16xf32>
        tpu.vector_store %arg8[%swap3A_376, %swap3A_377], %swap3A_380 {strides = array<i32>} : memref<128x64xf32, #tpu.memory_space<vmem>>, vector<1x16xf32>,
        %mul3A_381 = arith.constant 4 : i32
        %mul3A_382 = arith.muli %scan3A_190, %mul3A_381 : i32
        %add3A_383 = arith.constant 3 : i32
        %add3A_384 = arith.addi %mul3A_382, %add3A_383 : i32
        %get3A_385 = arith.index_cast %add3A_384 : i32 to index
        %get3A_386 = arith.constant 0 : index
        %get3A_387 = tpu.vector_load %arg8[%get3A_385, %get3A_386] {strides = array<i32>} : memref<128x64xf32, #tpu.memory_space<vmem>>, vector<1x16xf32>,
        %get3A_388 = vector.shape_cast %get3A_387 : vector<1x16xf32> to vector<16xf32>
        %mul3A_389 = arith.constant 8.000000e+00 : f32
        %mul3A_390 = vector.broadcast %mul3A_389 : f32 to vector<16xf32>
        %mul3A_391 = arith.mulf %get3A_388, %mul3A_390 : vector<16xf32>
        %swap3A_392 = arith.index_cast %add3A_384 : i32 to index
        %swap3A_393 = arith.constant 0 : index
        %swap3A_394 = tpu.vector_load %arg8[%swap3A_392, %swap3A_393] {strides = array<i32>} : memref<128x64xf32, #tpu.memory_space<vmem>>, vector<1x16xf32>,
        %swap3A_395 = vector.shape_cast %swap3A_394 : vector<1x16xf32> to vector<16xf32>
        %swap3A_396 = vector.shape_cast %mul3A_391 : vector<16xf32> to vector<1x16xf32>
        tpu.vector_store %arg8[%swap3A_392, %swap3A_393], %swap3A_396 {strides = array<i32>} : memref<128x64xf32, #tpu.memory_space<vmem>>, vector<1x16xf32>,
        %mul3A_397 = arith.constant 4 : i32
        %mul3A_398 = arith.muli %scan3A_190, %mul3A_397 : i32
        %add3A_399 = arith.constant 3 : i32
        %add3A_400 = arith.addi %mul3A_398, %add3A_399 : i32
        %get3A_401 = arith.index_cast %add3A_400 : i32 to index
        %get3A_402 = arith.constant 16 : index
        %get3A_403 = tpu.vector_load %arg8[%get3A_401, %get3A_402] {strides = array<i32>} : memref<128x64xf32, #tpu.memory_space<vmem>>, vector<1x16xf32>,
        %get3A_404 = vector.shape_cast %get3A_403 : vector<1x16xf32> to vector<16xf32>
        %mul3A_405 = arith.constant 8.000000e+00 : f32
        %mul3A_406 = vector.broadcast %mul3A_405 : f32 to vector<16xf32>
        %mul3A_407 = arith.mulf %get3A_404, %mul3A_406 : vector<16xf32>
        %swap3A_408 = arith.index_cast %add3A_400 : i32 to index
        %swap3A_409 = arith.constant 16 : index
        %swap3A_410 = tpu.vector_load %arg8[%swap3A_408, %swap3A_409] {strides = array<i32>} : memref<128x64xf32, #tpu.memory_space<vmem>>, vector<1x16xf32>,
        %swap3A_411 = vector.shape_cast %swap3A_410 : vector<1x16xf32> to vector<16xf32>
        %swap3A_412 = vector.shape_cast %mul3A_407 : vector<16xf32> to vector<1x16xf32>
        tpu.vector_store %arg8[%swap3A_408, %swap3A_409], %swap3A_412 {strides = array<i32>} : memref<128x64xf32, #tpu.memory_space<vmem>>, vector<1x16xf32>,
        %mul3A_413 = arith.constant 4 : i32
        %mul3A_414 = arith.muli %scan3A_190, %mul3A_413 : i32
        %add3A_415 = arith.constant 3 : i32
        %add3A_416 = arith.addi %mul3A_414, %add3A_415 : i32
        %get3A_417 = arith.index_cast %add3A_416 : i32 to index
        %get3A_418 = arith.constant 32 : index
        %get3A_419 = tpu.vector_load %arg8[%get3A_417, %get3A_418] {strides = array<i32>} : memref<128x64xf32, #tpu.memory_space<vmem>>, vector<1x16xf32>,
        %get3A_420 = vector.shape_cast %get3A_419 : vector<1x16xf32> to vector<16xf32>
        %mul3A_421 = arith.constant 8.000000e+00 : f32
        %mul3A_422 = vector.broadcast %mul3A_421 : f32 to vector<16xf32>
        %mul3A_423 = arith.mulf %get3A_420, %mul3A_422 : vector<16xf32>
        %swap3A_424 = arith.index_cast %add3A_416 : i32 to index
        %swap3A_425 = arith.constant 32 : index
        %swap3A_426 = tpu.vector_load %arg8[%swap3A_424, %swap3A_425] {strides = array<i32>} : memref<128x64xf32, #tpu.memory_space<vmem>>, vector<1x16xf32>,
        %swap3A_427 = vector.shape_cast %swap3A_426 : vector<1x16xf32> to vector<16xf32>
        %swap3A_428 = vector.shape_cast %mul3A_423 : vector<16xf32> to vector<1x16xf32>
        tpu.vector_store %arg8[%swap3A_424, %swap3A_425], %swap3A_428 {strides = array<i32>} : memref<128x64xf32, #tpu.memory_space<vmem>>, vector<1x16xf32>,
        %mul3A_429 = arith.constant 4 : i32
        %mul3A_430 = arith.muli %scan3A_190, %mul3A_429 : i32
        %add3A_431 = arith.constant 3 : i32
        %add3A_432 = arith.addi %mul3A_430, %add3A_431 : i32
        %get3A_433 = arith.index_cast %add3A_432 : i32 to index
        %get3A_434 = arith.constant 48 : index
        %get3A_435 = tpu.vector_load %arg8[%get3A_433, %get3A_434] {strides = array<i32>} : memref<128x64xf32, #tpu.memory_space<vmem>>, vector<1x16xf32>,
        %get3A_436 = vector.shape_cast %get3A_435 : vector<1x16xf32> to vector<16xf32>
        %mul3A_437 = arith.constant 8.000000e+00 : f32
        %mul3A_438 = vector.broadcast %mul3A_437 : f32 to vector<16xf32>
        %mul3A_439 = arith.mulf %get3A_436, %mul3A_438 : vector<16xf32>
        %swap3A_440 = arith.index_cast %add3A_432 : i32 to index
        %swap3A_441 = arith.constant 48 : index
        %swap3A_442 = tpu.vector_load %arg8[%swap3A_440, %swap3A_441] {strides = array<i32>} : memref<128x64xf32, #tpu.memory_space<vmem>>, vector<1x16xf32>,
        %swap3A_443 = vector.shape_cast %swap3A_442 : vector<1x16xf32> to vector<16xf32>
        %swap3A_444 = vector.shape_cast %mul3A_439 : vector<16xf32> to vector<1x16xf32>
        tpu.vector_store %arg8[%swap3A_440, %swap3A_441], %swap3A_444 {strides = array<i32>} : memref<128x64xf32, #tpu.memory_space<vmem>>, vector<1x16xf32>,
      }
      %scan3A_143 = arith.constant 32 : i32
      %dma_start3A_144 = arith.constant 0 : i32
      %dma_start3A_145 = arith.constant 0 : i32
      %dma_start3A_146 = tpu.memref_slice %arg4[%add3A, %add3A_131, %dma_start3A_144, %dma_start3A_145] : memref<32x200x128x64xf32, #tpu.memory_space<hbm>> -> memref<1x1x128x64xf32, #tpu.memory_space<hbm>>
      %dma_start3A_147 = tpu.memref_squeeze %dma_start3A_146 : memref<1x1x128x64xf32, #tpu.memory_space<hbm>> -> memref<128x64xf32, #tpu.memory_space<hbm>>
      %dma_start3A_148 = arith.constant 0 : i32
      %dma_start3A_149 = arith.constant 0 : i32
      %dma_start3A_150 = tpu.memref_slice %arg4[%add3A, %add3A_131, %dma_start3A_148, %dma_start3A_149] : memref<32x200x128x64xf32, #tpu.memory_space<hbm>> -> memref<1x1x128x64xf32, #tpu.memory_space<hbm>>
      %dma_start3A_151 = tpu.memref_squeeze %dma_start3A_150 : memref<1x1x128x64xf32, #tpu.memory_space<hbm>> -> memref<128x64xf32, #tpu.memory_space<hbm>>
      tpu.enqueue_dma source(%arg8 : memref<128x64xf32, #tpu.memory_space<vmem>>) target(%dma_start3A_151 : memref<128x64xf32, #tpu.memory_space<hbm>>) target_semaphore(%arg16 : memref<!tpu.dma_semaphore, #tpu.memory_space<semaphore_mem>>)
      %add3A_152 = arith.constant 4 : i32
      %add3A_153 = arith.addi %add3A_131, %add3A_152 : i32
      %lt3A_154 = arith.constant 200 : i32
      %lt3A_155 = arith.cmpi slt, %add3A_153, %lt3A_154 : i32
      %convert_element_type3A_156 = arith.extui %lt3A_155 : i1 to i32
      %cond3A_157 = arith.constant 0 : i32
      %cond3A_158 = arith.cmpi ne, %convert_element_type3A_156, %cond3A_157 : i32
      scf.if %cond3A_158 {
        %dma_wait3A_190 = arith.constant 0 : i32
        %dma_wait3A_191 = arith.constant 0 : i32
        %dma_wait3A_192 = tpu.memref_slice %arg4[%add3A, %add3A_131, %dma_wait3A_190, %dma_wait3A_191] : memref<32x200x128x64xf32, #tpu.memory_space<hbm>> -> memref<1x1x128x64xf32, #tpu.memory_space<hbm>>
        %dma_wait3A_193 = tpu.memref_squeeze %dma_wait3A_192 : memref<1x1x128x64xf32, #tpu.memory_space<hbm>> -> memref<128x64xf32, #tpu.memory_space<hbm>>
        %dma_wait3A_194 = arith.constant 0 : i32
        %dma_wait3A_195 = arith.constant 0 : i32
        %dma_wait3A_196 = tpu.memref_slice %arg4[%add3A, %add3A_131, %dma_wait3A_194, %dma_wait3A_195] : memref<32x200x128x64xf32, #tpu.memory_space<hbm>> -> memref<1x1x128x64xf32, #tpu.memory_space<hbm>>
        %dma_wait3A_197 = tpu.memref_squeeze %dma_wait3A_196 : memref<1x1x128x64xf32, #tpu.memory_space<hbm>> -> memref<128x64xf32, #tpu.memory_space<hbm>>
        tpu.wait_dma2 semaphore(%arg16 : memref<!tpu.dma_semaphore, #tpu.memory_space<semaphore_mem>>) src(%arg8 : memref<128x64xf32, #tpu.memory_space<vmem>>) dst(%dma_wait3A_197 : memref<128x64xf32, #tpu.memory_space<hbm>>)
        %dma_start3A_198 = arith.constant 0 : i32
        %dma_start3A_199 = tpu.memref_slice %arg5[%add3A_153, %dma_start3A_198] : memref<200x128xi32, #tpu.memory_space<vmem>> -> memref<1x128xi32, #tpu.memory_space<vmem>>
        %dma_start3A_200 = tpu.memref_squeeze %dma_start3A_199 : memref<1x128xi32, #tpu.memory_space<vmem>> -> memref<128xi32, #tpu.memory_space<vmem>>
        %dma_start3A_201 = arith.constant 0 : i32
        %dma_start3A_202 = arith.constant 0 : i32
        %dma_start3A_203 = tpu.memref_slice %arg3[%dma_start3A_201, %dma_start3A_202] : memref<1000000x64xf32, #tpu.memory_space<hbm>> -> memref<1000000x64xf32, #tpu.memory_space<hbm>>
        tpu.enqueue_indirect_dma source(%dma_start3A_203 : memref<1000000x64xf32, #tpu.memory_space<hbm>>) target(%arg8 : memref<128x64xf32, #tpu.memory_space<vmem>>) offsets(%dma_start3A_200 : memref<128xi32, #tpu.memory_space<vmem>>) semaphore(%arg12 : memref<!tpu.dma_semaphore, #tpu.memory_space<semaphore_mem>>)
      } else {
      }
      %mul3A_159 = arith.constant 4 : i32
      %mul3A_160 = arith.muli %scan3A_68, %mul3A_159 : i32
      %add3A_161 = arith.constant 3 : i32
      %add3A_162 = arith.addi %mul3A_160, %add3A_161 : i32
      %dma_wait3A_163 = arith.constant 0 : i32
      %dma_wait3A_164 = tpu.memref_slice %arg5[%add3A_162, %dma_wait3A_163] : memref<200x128xi32, #tpu.memory_space<vmem>> -> memref<1x128xi32, #tpu.memory_space<vmem>>
      %dma_wait3A_165 = tpu.memref_squeeze %dma_wait3A_164 : memref<1x128xi32, #tpu.memory_space<vmem>> -> memref<128xi32, #tpu.memory_space<vmem>>
      %dma_wait3A_166 = arith.constant 0 : i32
      %dma_wait3A_167 = arith.constant 0 : i32
      %dma_wait3A_168 = tpu.memref_slice %arg3[%dma_wait3A_166, %dma_wait3A_167] : memref<1000000x64xf32, #tpu.memory_space<hbm>> -> memref<1000000x64xf32, #tpu.memory_space<hbm>>
      tpu.wait_indirect_dma semaphore(%arg13 : memref<!tpu.dma_semaphore, #tpu.memory_space<semaphore_mem>>) src(%dma_wait3A_168 : memref<1000000x64xf32, #tpu.memory_space<hbm>>) dst(%arg9 : memref<128x64xf32, #tpu.memory_space<vmem>>)
      %scan3A_169 = arith.constant 0 : i32
      %scan3A_170 = arith.constant 0 : i32
      %scan3A_171 = arith.constant 32 : i32
      %scan3A_172 = arith.addi %scan3A_170, %scan3A_171 : i32
      %scan3A_173 = arith.constant 1 : i32
      scf.for %scan3A_190 = %scan3A_170 to %scan3A_172 step %scan3A_173  : i32 {
        %mul3A_191 = arith.constant 4 : i32
        %mul3A_192 = arith.muli %scan3A_190, %mul3A_191 : i32
        %add3A_193 = arith.constant 0 : i32
        %add3A_194 = arith.addi %mul3A_192, %add3A_193 : i32
        %get3A = arith.index_cast %add3A_194 : i32 to index
        %get3A_195 = arith.constant 0 : index
        %get3A_196 = tpu.vector_load %arg9[%get3A, %get3A_195] {strides = array<i32>} : memref<128x64xf32, #tpu.memory_space<vmem>>, vector<1x16xf32>,
        %get3A_197 = vector.shape_cast %get3A_196 : vector<1x16xf32> to vector<16xf32>
        %mul3A_198 = arith.constant 8.000000e+00 : f32
        %mul3A_199 = vector.broadcast %mul3A_198 : f32 to vector<16xf32>
        %mul3A_200 = arith.mulf %get3A_197, %mul3A_199 : vector<16xf32>
        %swap3A = arith.index_cast %add3A_194 : i32 to index
        %swap3A_201 = arith.constant 0 : index
        %swap3A_202 = tpu.vector_load %arg9[%swap3A, %swap3A_201] {strides = array<i32>} : memref<128x64xf32, #tpu.memory_space<vmem>>, vector<1x16xf32>,
        %swap3A_203 = vector.shape_cast %swap3A_202 : vector<1x16xf32> to vector<16xf32>
        %swap3A_204 = vector.shape_cast %mul3A_200 : vector<16xf32> to vector<1x16xf32>
        tpu.vector_store %arg9[%swap3A, %swap3A_201], %swap3A_204 {strides = array<i32>} : memref<128x64xf32, #tpu.memory_space<vmem>>, vector<1x16xf32>,
        %mul3A_205 = arith.constant 4 : i32
        %mul3A_206 = arith.muli %scan3A_190, %mul3A_205 : i32
        %add3A_207 = arith.constant 0 : i32
        %add3A_208 = arith.addi %mul3A_206, %add3A_207 : i32
        %get3A_209 = arith.index_cast %add3A_208 : i32 to index
        %get3A_210 = arith.constant 16 : index
        %get3A_211 = tpu.vector_load %arg9[%get3A_209, %get3A_210] {strides = array<i32>} : memref<128x64xf32, #tpu.memory_space<vmem>>, vector<1x16xf32>,
        %get3A_212 = vector.shape_cast %get3A_211 : vector<1x16xf32> to vector<16xf32>
        %mul3A_213 = arith.constant 8.000000e+00 : f32
        %mul3A_214 = vector.broadcast %mul3A_213 : f32 to vector<16xf32>
        %mul3A_215 = arith.mulf %get3A_212, %mul3A_214 : vector<16xf32>
        %swap3A_216 = arith.index_cast %add3A_208 : i32 to index
        %swap3A_217 = arith.constant 16 : index
        %swap3A_218 = tpu.vector_load %arg9[%swap3A_216, %swap3A_217] {strides = array<i32>} : memref<128x64xf32, #tpu.memory_space<vmem>>, vector<1x16xf32>,
        %swap3A_219 = vector.shape_cast %swap3A_218 : vector<1x16xf32> to vector<16xf32>
        %swap3A_220 = vector.shape_cast %mul3A_215 : vector<16xf32> to vector<1x16xf32>
        tpu.vector_store %arg9[%swap3A_216, %swap3A_217], %swap3A_220 {strides = array<i32>} : memref<128x64xf32, #tpu.memory_space<vmem>>, vector<1x16xf32>,
        %mul3A_221 = arith.constant 4 : i32
        %mul3A_222 = arith.muli %scan3A_190, %mul3A_221 : i32
        %add3A_223 = arith.constant 0 : i32
        %add3A_224 = arith.addi %mul3A_222, %add3A_223 : i32
        %get3A_225 = arith.index_cast %add3A_224 : i32 to index
        %get3A_226 = arith.constant 32 : index
        %get3A_227 = tpu.vector_load %arg9[%get3A_225, %get3A_226] {strides = array<i32>} : memref<128x64xf32, #tpu.memory_space<vmem>>, vector<1x16xf32>,
        %get3A_228 = vector.shape_cast %get3A_227 : vector<1x16xf32> to vector<16xf32>
        %mul3A_229 = arith.constant 8.000000e+00 : f32
        %mul3A_230 = vector.broadcast %mul3A_229 : f32 to vector<16xf32>
        %mul3A_231 = arith.mulf %get3A_228, %mul3A_230 : vector<16xf32>
        %swap3A_232 = arith.index_cast %add3A_224 : i32 to index
        %swap3A_233 = arith.constant 32 : index
        %swap3A_234 = tpu.vector_load %arg9[%swap3A_232, %swap3A_233] {strides = array<i32>} : memref<128x64xf32, #tpu.memory_space<vmem>>, vector<1x16xf32>,
        %swap3A_235 = vector.shape_cast %swap3A_234 : vector<1x16xf32> to vector<16xf32>
        %swap3A_236 = vector.shape_cast %mul3A_231 : vector<16xf32> to vector<1x16xf32>
        tpu.vector_store %arg9[%swap3A_232, %swap3A_233], %swap3A_236 {strides = array<i32>} : memref<128x64xf32, #tpu.memory_space<vmem>>, vector<1x16xf32>,
        %mul3A_237 = arith.constant 4 : i32
        %mul3A_238 = arith.muli %scan3A_190, %mul3A_237 : i32
        %add3A_239 = arith.constant 0 : i32
        %add3A_240 = arith.addi %mul3A_238, %add3A_239 : i32
        %get3A_241 = arith.index_cast %add3A_240 : i32 to index
        %get3A_242 = arith.constant 48 : index
        %get3A_243 = tpu.vector_load %arg9[%get3A_241, %get3A_242] {strides = array<i32>} : memref<128x64xf32, #tpu.memory_space<vmem>>, vector<1x16xf32>,
        %get3A_244 = vector.shape_cast %get3A_243 : vector<1x16xf32> to vector<16xf32>
        %mul3A_245 = arith.constant 8.000000e+00 : f32
        %mul3A_246 = vector.broadcast %mul3A_245 : f32 to vector<16xf32>
        %mul3A_247 = arith.mulf %get3A_244, %mul3A_246 : vector<16xf32>
        %swap3A_248 = arith.index_cast %add3A_240 : i32 to index
        %swap3A_249 = arith.constant 48 : index
        %swap3A_250 = tpu.vector_load %arg9[%swap3A_248, %swap3A_249] {strides = array<i32>} : memref<128x64xf32, #tpu.memory_space<vmem>>, vector<1x16xf32>,
        %swap3A_251 = vector.shape_cast %swap3A_250 : vector<1x16xf32> to vector<16xf32>
        %swap3A_252 = vector.shape_cast %mul3A_247 : vector<16xf32> to vector<1x16xf32>
        tpu.vector_store %arg9[%swap3A_248, %swap3A_249], %swap3A_252 {strides = array<i32>} : memref<128x64xf32, #tpu.memory_space<vmem>>, vector<1x16xf32>,
        %mul3A_253 = arith.constant 4 : i32
        %mul3A_254 = arith.muli %scan3A_190, %mul3A_253 : i32
        %add3A_255 = arith.constant 1 : i32
        %add3A_256 = arith.addi %mul3A_254, %add3A_255 : i32
        %get3A_257 = arith.index_cast %add3A_256 : i32 to index
        %get3A_258 = arith.constant 0 : index
        %get3A_259 = tpu.vector_load %arg9[%get3A_257, %get3A_258] {strides = array<i32>} : memref<128x64xf32, #tpu.memory_space<vmem>>, vector<1x16xf32>,
        %get3A_260 = vector.shape_cast %get3A_259 : vector<1x16xf32> to vector<16xf32>
        %mul3A_261 = arith.constant 8.000000e+00 : f32
        %mul3A_262 = vector.broadcast %mul3A_261 : f32 to vector<16xf32>
        %mul3A_263 = arith.mulf %get3A_260, %mul3A_262 : vector<16xf32>
        %swap3A_264 = arith.index_cast %add3A_256 : i32 to index
        %swap3A_265 = arith.constant 0 : index
        %swap3A_266 = tpu.vector_load %arg9[%swap3A_264, %swap3A_265] {strides = array<i32>} : memref<128x64xf32, #tpu.memory_space<vmem>>, vector<1x16xf32>,
        %swap3A_267 = vector.shape_cast %swap3A_266 : vector<1x16xf32> to vector<16xf32>
        %swap3A_268 = vector.shape_cast %mul3A_263 : vector<16xf32> to vector<1x16xf32>
        tpu.vector_store %arg9[%swap3A_264, %swap3A_265], %swap3A_268 {strides = array<i32>} : memref<128x64xf32, #tpu.memory_space<vmem>>, vector<1x16xf32>,
        %mul3A_269 = arith.constant 4 : i32
        %mul3A_270 = arith.muli %scan3A_190, %mul3A_269 : i32
        %add3A_271 = arith.constant 1 : i32
        %add3A_272 = arith.addi %mul3A_270, %add3A_271 : i32
        %get3A_273 = arith.index_cast %add3A_272 : i32 to index
        %get3A_274 = arith.constant 16 : index
        %get3A_275 = tpu.vector_load %arg9[%get3A_273, %get3A_274] {strides = array<i32>} : memref<128x64xf32, #tpu.memory_space<vmem>>, vector<1x16xf32>,
        %get3A_276 = vector.shape_cast %get3A_275 : vector<1x16xf32> to vector<16xf32>
        %mul3A_277 = arith.constant 8.000000e+00 : f32
        %mul3A_278 = vector.broadcast %mul3A_277 : f32 to vector<16xf32>
        %mul3A_279 = arith.mulf %get3A_276, %mul3A_278 : vector<16xf32>
        %swap3A_280 = arith.index_cast %add3A_272 : i32 to index
        %swap3A_281 = arith.constant 16 : index
        %swap3A_282 = tpu.vector_load %arg9[%swap3A_280, %swap3A_281] {strides = array<i32>} : memref<128x64xf32, #tpu.memory_space<vmem>>, vector<1x16xf32>,
        %swap3A_283 = vector.shape_cast %swap3A_282 : vector<1x16xf32> to vector<16xf32>
        %swap3A_284 = vector.shape_cast %mul3A_279 : vector<16xf32> to vector<1x16xf32>
        tpu.vector_store %arg9[%swap3A_280, %swap3A_281], %swap3A_284 {strides = array<i32>} : memref<128x64xf32, #tpu.memory_space<vmem>>, vector<1x16xf32>,
        %mul3A_285 = arith.constant 4 : i32
        %mul3A_286 = arith.muli %scan3A_190, %mul3A_285 : i32
        %add3A_287 = arith.constant 1 : i32
        %add3A_288 = arith.addi %mul3A_286, %add3A_287 : i32
        %get3A_289 = arith.index_cast %add3A_288 : i32 to index
        %get3A_290 = arith.constant 32 : index
        %get3A_291 = tpu.vector_load %arg9[%get3A_289, %get3A_290] {strides = array<i32>} : memref<128x64xf32, #tpu.memory_space<vmem>>, vector<1x16xf32>,
        %get3A_292 = vector.shape_cast %get3A_291 : vector<1x16xf32> to vector<16xf32>
        %mul3A_293 = arith.constant 8.000000e+00 : f32
        %mul3A_294 = vector.broadcast %mul3A_293 : f32 to vector<16xf32>
        %mul3A_295 = arith.mulf %get3A_292, %mul3A_294 : vector<16xf32>
        %swap3A_296 = arith.index_cast %add3A_288 : i32 to index
        %swap3A_297 = arith.constant 32 : index
        %swap3A_298 = tpu.vector_load %arg9[%swap3A_296, %swap3A_297] {strides = array<i32>} : memref<128x64xf32, #tpu.memory_space<vmem>>, vector<1x16xf32>,
        %swap3A_299 = vector.shape_cast %swap3A_298 : vector<1x16xf32> to vector<16xf32>
        %swap3A_300 = vector.shape_cast %mul3A_295 : vector<16xf32> to vector<1x16xf32>
        tpu.vector_store %arg9[%swap3A_296, %swap3A_297], %swap3A_300 {strides = array<i32>} : memref<128x64xf32, #tpu.memory_space<vmem>>, vector<1x16xf32>,
        %mul3A_301 = arith.constant 4 : i32
        %mul3A_302 = arith.muli %scan3A_190, %mul3A_301 : i32
        %add3A_303 = arith.constant 1 : i32
        %add3A_304 = arith.addi %mul3A_302, %add3A_303 : i32
        %get3A_305 = arith.index_cast %add3A_304 : i32 to index
        %get3A_306 = arith.constant 48 : index
        %get3A_307 = tpu.vector_load %arg9[%get3A_305, %get3A_306] {strides = array<i32>} : memref<128x64xf32, #tpu.memory_space<vmem>>, vector<1x16xf32>,
        %get3A_308 = vector.shape_cast %get3A_307 : vector<1x16xf32> to vector<16xf32>
        %mul3A_309 = arith.constant 8.000000e+00 : f32
        %mul3A_310 = vector.broadcast %mul3A_309 : f32 to vector<16xf32>
        %mul3A_311 = arith.mulf %get3A_308, %mul3A_310 : vector<16xf32>
        %swap3A_312 = arith.index_cast %add3A_304 : i32 to index
        %swap3A_313 = arith.constant 48 : index
        %swap3A_314 = tpu.vector_load %arg9[%swap3A_312, %swap3A_313] {strides = array<i32>} : memref<128x64xf32, #tpu.memory_space<vmem>>, vector<1x16xf32>,
        %swap3A_315 = vector.shape_cast %swap3A_314 : vector<1x16xf32> to vector<16xf32>
        %swap3A_316 = vector.shape_cast %mul3A_311 : vector<16xf32> to vector<1x16xf32>
        tpu.vector_store %arg9[%swap3A_312, %swap3A_313], %swap3A_316 {strides = array<i32>} : memref<128x64xf32, #tpu.memory_space<vmem>>, vector<1x16xf32>,
        %mul3A_317 = arith.constant 4 : i32
        %mul3A_318 = arith.muli %scan3A_190, %mul3A_317 : i32
        %add3A_319 = arith.constant 2 : i32
        %add3A_320 = arith.addi %mul3A_318, %add3A_319 : i32
        %get3A_321 = arith.index_cast %add3A_320 : i32 to index
        %get3A_322 = arith.constant 0 : index
        %get3A_323 = tpu.vector_load %arg9[%get3A_321, %get3A_322] {strides = array<i32>} : memref<128x64xf32, #tpu.memory_space<vmem>>, vector<1x16xf32>,
        %get3A_324 = vector.shape_cast %get3A_323 : vector<1x16xf32> to vector<16xf32>
        %mul3A_325 = arith.constant 8.000000e+00 : f32
        %mul3A_326 = vector.broadcast %mul3A_325 : f32 to vector<16xf32>
        %mul3A_327 = arith.mulf %get3A_324, %mul3A_326 : vector<16xf32>
        %swap3A_328 = arith.index_cast %add3A_320 : i32 to index
        %swap3A_329 = arith.constant 0 : index
        %swap3A_330 = tpu.vector_load %arg9[%swap3A_328, %swap3A_329] {strides = array<i32>} : memref<128x64xf32, #tpu.memory_space<vmem>>, vector<1x16xf32>,
        %swap3A_331 = vector.shape_cast %swap3A_330 : vector<1x16xf32> to vector<16xf32>
        %swap3A_332 = vector.shape_cast %mul3A_327 : vector<16xf32> to vector<1x16xf32>
        tpu.vector_store %arg9[%swap3A_328, %swap3A_329], %swap3A_332 {strides = array<i32>} : memref<128x64xf32, #tpu.memory_space<vmem>>, vector<1x16xf32>,
        %mul3A_333 = arith.constant 4 : i32
        %mul3A_334 = arith.muli %scan3A_190, %mul3A_333 : i32
        %add3A_335 = arith.constant 2 : i32
        %add3A_336 = arith.addi %mul3A_334, %add3A_335 : i32
        %get3A_337 = arith.index_cast %add3A_336 : i32 to index
        %get3A_338 = arith.constant 16 : index
        %get3A_339 = tpu.vector_load %arg9[%get3A_337, %get3A_338] {strides = array<i32>} : memref<128x64xf32, #tpu.memory_space<vmem>>, vector<1x16xf32>,
        %get3A_340 = vector.shape_cast %get3A_339 : vector<1x16xf32> to vector<16xf32>
        %mul3A_341 = arith.constant 8.000000e+00 : f32
        %mul3A_342 = vector.broadcast %mul3A_341 : f32 to vector<16xf32>
        %mul3A_343 = arith.mulf %get3A_340, %mul3A_342 : vector<16xf32>
        %swap3A_344 = arith.index_cast %add3A_336 : i32 to index
        %swap3A_345 = arith.constant 16 : index
        %swap3A_346 = tpu.vector_load %arg9[%swap3A_344, %swap3A_345] {strides = array<i32>} : memref<128x64xf32, #tpu.memory_space<vmem>>, vector<1x16xf32>,
        %swap3A_347 = vector.shape_cast %swap3A_346 : vector<1x16xf32> to vector<16xf32>
        %swap3A_348 = vector.shape_cast %mul3A_343 : vector<16xf32> to vector<1x16xf32>
        tpu.vector_store %arg9[%swap3A_344, %swap3A_345], %swap3A_348 {strides = array<i32>} : memref<128x64xf32, #tpu.memory_space<vmem>>, vector<1x16xf32>,
        %mul3A_349 = arith.constant 4 : i32
        %mul3A_350 = arith.muli %scan3A_190, %mul3A_349 : i32
        %add3A_351 = arith.constant 2 : i32
        %add3A_352 = arith.addi %mul3A_350, %add3A_351 : i32
        %get3A_353 = arith.index_cast %add3A_352 : i32 to index
        %get3A_354 = arith.constant 32 : index
        %get3A_355 = tpu.vector_load %arg9[%get3A_353, %get3A_354] {strides = array<i32>} : memref<128x64xf32, #tpu.memory_space<vmem>>, vector<1x16xf32>,
        %get3A_356 = vector.shape_cast %get3A_355 : vector<1x16xf32> to vector<16xf32>
        %mul3A_357 = arith.constant 8.000000e+00 : f32
        %mul3A_358 = vector.broadcast %mul3A_357 : f32 to vector<16xf32>
        %mul3A_359 = arith.mulf %get3A_356, %mul3A_358 : vector<16xf32>
        %swap3A_360 = arith.index_cast %add3A_352 : i32 to index
        %swap3A_361 = arith.constant 32 : index
        %swap3A_362 = tpu.vector_load %arg9[%swap3A_360, %swap3A_361] {strides = array<i32>} : memref<128x64xf32, #tpu.memory_space<vmem>>, vector<1x16xf32>,
        %swap3A_363 = vector.shape_cast %swap3A_362 : vector<1x16xf32> to vector<16xf32>
        %swap3A_364 = vector.shape_cast %mul3A_359 : vector<16xf32> to vector<1x16xf32>
        tpu.vector_store %arg9[%swap3A_360, %swap3A_361], %swap3A_364 {strides = array<i32>} : memref<128x64xf32, #tpu.memory_space<vmem>>, vector<1x16xf32>,
        %mul3A_365 = arith.constant 4 : i32
        %mul3A_366 = arith.muli %scan3A_190, %mul3A_365 : i32
        %add3A_367 = arith.constant 2 : i32
        %add3A_368 = arith.addi %mul3A_366, %add3A_367 : i32
        %get3A_369 = arith.index_cast %add3A_368 : i32 to index
        %get3A_370 = arith.constant 48 : index
        %get3A_371 = tpu.vector_load %arg9[%get3A_369, %get3A_370] {strides = array<i32>} : memref<128x64xf32, #tpu.memory_space<vmem>>, vector<1x16xf32>,
        %get3A_372 = vector.shape_cast %get3A_371 : vector<1x16xf32> to vector<16xf32>
        %mul3A_373 = arith.constant 8.000000e+00 : f32
        %mul3A_374 = vector.broadcast %mul3A_373 : f32 to vector<16xf32>
        %mul3A_375 = arith.mulf %get3A_372, %mul3A_374 : vector<16xf32>
        %swap3A_376 = arith.index_cast %add3A_368 : i32 to index
        %swap3A_377 = arith.constant 48 : index
        %swap3A_378 = tpu.vector_load %arg9[%swap3A_376, %swap3A_377] {strides = array<i32>} : memref<128x64xf32, #tpu.memory_space<vmem>>, vector<1x16xf32>,
        %swap3A_379 = vector.shape_cast %swap3A_378 : vector<1x16xf32> to vector<16xf32>
        %swap3A_380 = vector.shape_cast %mul3A_375 : vector<16xf32> to vector<1x16xf32>
        tpu.vector_store %arg9[%swap3A_376, %swap3A_377], %swap3A_380 {strides = array<i32>} : memref<128x64xf32, #tpu.memory_space<vmem>>, vector<1x16xf32>,
        %mul3A_381 = arith.constant 4 : i32
        %mul3A_382 = arith.muli %scan3A_190, %mul3A_381 : i32
        %add3A_383 = arith.constant 3 : i32
        %add3A_384 = arith.addi %mul3A_382, %add3A_383 : i32
        %get3A_385 = arith.index_cast %add3A_384 : i32 to index
        %get3A_386 = arith.constant 0 : index
        %get3A_387 = tpu.vector_load %arg9[%get3A_385, %get3A_386] {strides = array<i32>} : memref<128x64xf32, #tpu.memory_space<vmem>>, vector<1x16xf32>,
        %get3A_388 = vector.shape_cast %get3A_387 : vector<1x16xf32> to vector<16xf32>
        %mul3A_389 = arith.constant 8.000000e+00 : f32
        %mul3A_390 = vector.broadcast %mul3A_389 : f32 to vector<16xf32>
        %mul3A_391 = arith.mulf %get3A_388, %mul3A_390 : vector<16xf32>
        %swap3A_392 = arith.index_cast %add3A_384 : i32 to index
        %swap3A_393 = arith.constant 0 : index
        %swap3A_394 = tpu.vector_load %arg9[%swap3A_392, %swap3A_393] {strides = array<i32>} : memref<128x64xf32, #tpu.memory_space<vmem>>, vector<1x16xf32>,
        %swap3A_395 = vector.shape_cast %swap3A_394 : vector<1x16xf32> to vector<16xf32>
        %swap3A_396 = vector.shape_cast %mul3A_391 : vector<16xf32> to vector<1x16xf32>
        tpu.vector_store %arg9[%swap3A_392, %swap3A_393], %swap3A_396 {strides = array<i32>} : memref<128x64xf32, #tpu.memory_space<vmem>>, vector<1x16xf32>,
        %mul3A_397 = arith.constant 4 : i32
        %mul3A_398 = arith.muli %scan3A_190, %mul3A_397 : i32
        %add3A_399 = arith.constant 3 : i32
        %add3A_400 = arith.addi %mul3A_398, %add3A_399 : i32
        %get3A_401 = arith.index_cast %add3A_400 : i32 to index
        %get3A_402 = arith.constant 16 : index
        %get3A_403 = tpu.vector_load %arg9[%get3A_401, %get3A_402] {strides = array<i32>} : memref<128x64xf32, #tpu.memory_space<vmem>>, vector<1x16xf32>,
        %get3A_404 = vector.shape_cast %get3A_403 : vector<1x16xf32> to vector<16xf32>
        %mul3A_405 = arith.constant 8.000000e+00 : f32
        %mul3A_406 = vector.broadcast %mul3A_405 : f32 to vector<16xf32>
        %mul3A_407 = arith.mulf %get3A_404, %mul3A_406 : vector<16xf32>
        %swap3A_408 = arith.index_cast %add3A_400 : i32 to index
        %swap3A_409 = arith.constant 16 : index
        %swap3A_410 = tpu.vector_load %arg9[%swap3A_408, %swap3A_409] {strides = array<i32>} : memref<128x64xf32, #tpu.memory_space<vmem>>, vector<1x16xf32>,
        %swap3A_411 = vector.shape_cast %swap3A_410 : vector<1x16xf32> to vector<16xf32>
        %swap3A_412 = vector.shape_cast %mul3A_407 : vector<16xf32> to vector<1x16xf32>
        tpu.vector_store %arg9[%swap3A_408, %swap3A_409], %swap3A_412 {strides = array<i32>} : memref<128x64xf32, #tpu.memory_space<vmem>>, vector<1x16xf32>,
        %mul3A_413 = arith.constant 4 : i32
        %mul3A_414 = arith.muli %scan3A_190, %mul3A_413 : i32
        %add3A_415 = arith.constant 3 : i32
        %add3A_416 = arith.addi %mul3A_414, %add3A_415 : i32
        %get3A_417 = arith.index_cast %add3A_416 : i32 to index
        %get3A_418 = arith.constant 32 : index
        %get3A_419 = tpu.vector_load %arg9[%get3A_417, %get3A_418] {strides = array<i32>} : memref<128x64xf32, #tpu.memory_space<vmem>>, vector<1x16xf32>,
        %get3A_420 = vector.shape_cast %get3A_419 : vector<1x16xf32> to vector<16xf32>
        %mul3A_421 = arith.constant 8.000000e+00 : f32
        %mul3A_422 = vector.broadcast %mul3A_421 : f32 to vector<16xf32>
        %mul3A_423 = arith.mulf %get3A_420, %mul3A_422 : vector<16xf32>
        %swap3A_424 = arith.index_cast %add3A_416 : i32 to index
        %swap3A_425 = arith.constant 32 : index
        %swap3A_426 = tpu.vector_load %arg9[%swap3A_424, %swap3A_425] {strides = array<i32>} : memref<128x64xf32, #tpu.memory_space<vmem>>, vector<1x16xf32>,
        %swap3A_427 = vector.shape_cast %swap3A_426 : vector<1x16xf32> to vector<16xf32>
        %swap3A_428 = vector.shape_cast %mul3A_423 : vector<16xf32> to vector<1x16xf32>
        tpu.vector_store %arg9[%swap3A_424, %swap3A_425], %swap3A_428 {strides = array<i32>} : memref<128x64xf32, #tpu.memory_space<vmem>>, vector<1x16xf32>,
        %mul3A_429 = arith.constant 4 : i32
        %mul3A_430 = arith.muli %scan3A_190, %mul3A_429 : i32
        %add3A_431 = arith.constant 3 : i32
        %add3A_432 = arith.addi %mul3A_430, %add3A_431 : i32
        %get3A_433 = arith.index_cast %add3A_432 : i32 to index
        %get3A_434 = arith.constant 48 : index
        %get3A_435 = tpu.vector_load %arg9[%get3A_433, %get3A_434] {strides = array<i32>} : memref<128x64xf32, #tpu.memory_space<vmem>>, vector<1x16xf32>,
        %get3A_436 = vector.shape_cast %get3A_435 : vector<1x16xf32> to vector<16xf32>
        %mul3A_437 = arith.constant 8.000000e+00 : f32
        %mul3A_438 = vector.broadcast %mul3A_437 : f32 to vector<16xf32>
        %mul3A_439 = arith.mulf %get3A_436, %mul3A_438 : vector<16xf32>
        %swap3A_440 = arith.index_cast %add3A_432 : i32 to index
        %swap3A_441 = arith.constant 48 : index
        %swap3A_442 = tpu.vector_load %arg9[%swap3A_440, %swap3A_441] {strides = array<i32>} : memref<128x64xf32, #tpu.memory_space<vmem>>, vector<1x16xf32>,
        %swap3A_443 = vector.shape_cast %swap3A_442 : vector<1x16xf32> to vector<16xf32>
        %swap3A_444 = vector.shape_cast %mul3A_439 : vector<16xf32> to vector<1x16xf32>
        tpu.vector_store %arg9[%swap3A_440, %swap3A_441], %swap3A_444 {strides = array<i32>} : memref<128x64xf32, #tpu.memory_space<vmem>>, vector<1x16xf32>,
      }
      %scan3A_174 = arith.constant 32 : i32
      %dma_start3A_175 = arith.constant 0 : i32
      %dma_start3A_176 = arith.constant 0 : i32
      %dma_start3A_177 = tpu.memref_slice %arg4[%add3A, %add3A_162, %dma_start3A_175, %dma_start3A_176] : memref<32x200x128x64xf32, #tpu.memory_space<hbm>> -> memref<1x1x128x64xf32, #tpu.memory_space<hbm>>
      %dma_start3A_178 = tpu.memref_squeeze %dma_start3A_177 : memref<1x1x128x64xf32, #tpu.memory_space<hbm>> -> memref<128x64xf32, #tpu.memory_space<hbm>>
      %dma_start3A_179 = arith.constant 0 : i32
      %dma_start3A_180 = arith.constant 0 : i32
      %dma_start3A_181 = tpu.memref_slice %arg4[%add3A, %add3A_162, %dma_start3A_179, %dma_start3A_180] : memref<32x200x128x64xf32, #tpu.memory_space<hbm>> -> memref<1x1x128x64xf32, #tpu.memory_space<hbm>>
      %dma_start3A_182 = tpu.memref_squeeze %dma_start3A_181 : memref<1x1x128x64xf32, #tpu.memory_space<hbm>> -> memref<128x64xf32, #tpu.memory_space<hbm>>
      tpu.enqueue_dma source(%arg9 : memref<128x64xf32, #tpu.memory_space<vmem>>) target(%dma_start3A_182 : memref<128x64xf32, #tpu.memory_space<hbm>>) target_semaphore(%arg17 : memref<!tpu.dma_semaphore, #tpu.memory_space<semaphore_mem>>)
      %add3A_183 = arith.constant 4 : i32
      %add3A_184 = arith.addi %add3A_162, %add3A_183 : i32
      %lt3A_185 = arith.constant 200 : i32
      %lt3A_186 = arith.cmpi slt, %add3A_184, %lt3A_185 : i32
      %convert_element_type3A_187 = arith.extui %lt3A_186 : i1 to i32
      %cond3A_188 = arith.constant 0 : i32
      %cond3A_189 = arith.cmpi ne, %convert_element_type3A_187, %cond3A_188 : i32
      scf.if %cond3A_189 {
        %dma_wait3A_190 = arith.constant 0 : i32
        %dma_wait3A_191 = arith.constant 0 : i32
        %dma_wait3A_192 = tpu.memref_slice %arg4[%add3A, %add3A_162, %dma_wait3A_190, %dma_wait3A_191] : memref<32x200x128x64xf32, #tpu.memory_space<hbm>> -> memref<1x1x128x64xf32, #tpu.memory_space<hbm>>
        %dma_wait3A_193 = tpu.memref_squeeze %dma_wait3A_192 : memref<1x1x128x64xf32, #tpu.memory_space<hbm>> -> memref<128x64xf32, #tpu.memory_space<hbm>>
        %dma_wait3A_194 = arith.constant 0 : i32
        %dma_wait3A_195 = arith.constant 0 : i32
        %dma_wait3A_196 = tpu.memref_slice %arg4[%add3A, %add3A_162, %dma_wait3A_194, %dma_wait3A_195] : memref<32x200x128x64xf32, #tpu.memory_space<hbm>> -> memref<1x1x128x64xf32, #tpu.memory_space<hbm>>
        %dma_wait3A_197 = tpu.memref_squeeze %dma_wait3A_196 : memref<1x1x128x64xf32, #tpu.memory_space<hbm>> -> memref<128x64xf32, #tpu.memory_space<hbm>>
        tpu.wait_dma2 semaphore(%arg17 : memref<!tpu.dma_semaphore, #tpu.memory_space<semaphore_mem>>) src(%arg9 : memref<128x64xf32, #tpu.memory_space<vmem>>) dst(%dma_wait3A_197 : memref<128x64xf32, #tpu.memory_space<hbm>>)
        %dma_start3A_198 = arith.constant 0 : i32
        %dma_start3A_199 = tpu.memref_slice %arg5[%add3A_184, %dma_start3A_198] : memref<200x128xi32, #tpu.memory_space<vmem>> -> memref<1x128xi32, #tpu.memory_space<vmem>>
        %dma_start3A_200 = tpu.memref_squeeze %dma_start3A_199 : memref<1x128xi32, #tpu.memory_space<vmem>> -> memref<128xi32, #tpu.memory_space<vmem>>
        %dma_start3A_201 = arith.constant 0 : i32
        %dma_start3A_202 = arith.constant 0 : i32
        %dma_start3A_203 = tpu.memref_slice %arg3[%dma_start3A_201, %dma_start3A_202] : memref<1000000x64xf32, #tpu.memory_space<hbm>> -> memref<1000000x64xf32, #tpu.memory_space<hbm>>
        tpu.enqueue_indirect_dma source(%dma_start3A_203 : memref<1000000x64xf32, #tpu.memory_space<hbm>>) target(%arg9 : memref<128x64xf32, #tpu.memory_space<vmem>>) offsets(%dma_start3A_200 : memref<128xi32, #tpu.memory_space<vmem>>) semaphore(%arg13 : memref<!tpu.dma_semaphore, #tpu.memory_space<semaphore_mem>>)
      } else {
      }
    }
    %scan3A_32 = arith.constant 50 : i32
    %dma_wait3A = arith.constant 0 : i32
    %dma_wait3A_33 = arith.constant 0 : i32
    %dma_wait3A_34 = arith.constant 0 : i32
    %dma_wait3A_35 = tpu.memref_slice %arg4[%add3A, %dma_wait3A, %dma_wait3A_33, %dma_wait3A_34] : memref<32x200x128x64xf32, #tpu.memory_space<hbm>> -> memref<1x1x128x64xf32, #tpu.memory_space<hbm>>
    %dma_wait3A_36 = tpu.memref_squeeze %dma_wait3A_35 : memref<1x1x128x64xf32, #tpu.memory_space<hbm>> -> memref<128x64xf32, #tpu.memory_space<hbm>>
    %dma_wait3A_37 = arith.constant 0 : i32
    %dma_wait3A_38 = arith.constant 0 : i32
    %dma_wait3A_39 = tpu.memref_slice %arg4[%add3A, %dma_wait3A, %dma_wait3A_37, %dma_wait3A_38] : memref<32x200x128x64xf32, #tpu.memory_space<hbm>> -> memref<1x1x128x64xf32, #tpu.memory_space<hbm>>
    %dma_wait3A_40 = tpu.memref_squeeze %dma_wait3A_39 : memref<1x1x128x64xf32, #tpu.memory_space<hbm>> -> memref<128x64xf32, #tpu.memory_space<hbm>>
    tpu.wait_dma2 semaphore(%arg14 : memref<!tpu.dma_semaphore, #tpu.memory_space<semaphore_mem>>) src(%arg6 : memref<128x64xf32, #tpu.memory_space<vmem>>) dst(%dma_wait3A_40 : memref<128x64xf32, #tpu.memory_space<hbm>>)
    %dma_wait3A_41 = arith.constant 0 : i32
    %dma_wait3A_42 = arith.constant 0 : i32
    %dma_wait3A_43 = arith.constant 0 : i32
    %dma_wait3A_44 = tpu.memref_slice %arg4[%add3A, %dma_wait3A_41, %dma_wait3A_42, %dma_wait3A_43] : memref<32x200x128x64xf32, #tpu.memory_space<hbm>> -> memref<1x1x128x64xf32, #tpu.memory_space<hbm>>
    %dma_wait3A_45 = tpu.memref_squeeze %dma_wait3A_44 : memref<1x1x128x64xf32, #tpu.memory_space<hbm>> -> memref<128x64xf32, #tpu.memory_space<hbm>>
    %dma_wait3A_46 = arith.constant 0 : i32
    %dma_wait3A_47 = arith.constant 0 : i32
    %dma_wait3A_48 = tpu.memref_slice %arg4[%add3A, %dma_wait3A_41, %dma_wait3A_46, %dma_wait3A_47] : memref<32x200x128x64xf32, #tpu.memory_space<hbm>> -> memref<1x1x128x64xf32, #tpu.memory_space<hbm>>
    %dma_wait3A_49 = tpu.memref_squeeze %dma_wait3A_48 : memref<1x1x128x64xf32, #tpu.memory_space<hbm>> -> memref<128x64xf32, #tpu.memory_space<hbm>>
    tpu.wait_dma2 semaphore(%arg15 : memref<!tpu.dma_semaphore, #tpu.memory_space<semaphore_mem>>) src(%arg7 : memref<128x64xf32, #tpu.memory_space<vmem>>) dst(%dma_wait3A_49 : memref<128x64xf32, #tpu.memory_space<hbm>>)
    %dma_wait3A_50 = arith.constant 0 : i32
    %dma_wait3A_51 = arith.constant 0 : i32
    %dma_wait3A_52 = arith.constant 0 : i32
    %dma_wait3A_53 = tpu.memref_slice %arg4[%add3A, %dma_wait3A_50, %dma_wait3A_51, %dma_wait3A_52] : memref<32x200x128x64xf32, #tpu.memory_space<hbm>> -> memref<1x1x128x64xf32, #tpu.memory_space<hbm>>
    %dma_wait3A_54 = tpu.memref_squeeze %dma_wait3A_53 : memref<1x1x128x64xf32, #tpu.memory_space<hbm>> -> memref<128x64xf32, #tpu.memory_space<hbm>>
    %dma_wait3A_55 = arith.constant 0 : i32
    %dma_wait3A_56 = arith.constant 0 : i32
    %dma_wait3A_57 = tpu.memref_slice %arg4[%add3A, %dma_wait3A_50, %dma_wait3A_55, %dma_wait3A_56] : memref<32x200x128x64xf32, #tpu.memory_space<hbm>> -> memref<1x1x128x64xf32, #tpu.memory_space<hbm>>
    %dma_wait3A_58 = tpu.memref_squeeze %dma_wait3A_57 : memref<1x1x128x64xf32, #tpu.memory_space<hbm>> -> memref<128x64xf32, #tpu.memory_space<hbm>>
    tpu.wait_dma2 semaphore(%arg16 : memref<!tpu.dma_semaphore, #tpu.memory_space<semaphore_mem>>) src(%arg8 : memref<128x64xf32, #tpu.memory_space<vmem>>) dst(%dma_wait3A_58 : memref<128x64xf32, #tpu.memory_space<hbm>>)
    %dma_wait3A_59 = arith.constant 0 : i32
    %dma_wait3A_60 = arith.constant 0 : i32
    %dma_wait3A_61 = arith.constant 0 : i32
    %dma_wait3A_62 = tpu.memref_slice %arg4[%add3A, %dma_wait3A_59, %dma_wait3A_60, %dma_wait3A_61] : memref<32x200x128x64xf32, #tpu.memory_space<hbm>> -> memref<1x1x128x64xf32, #tpu.memory_space<hbm>>
    %dma_wait3A_63 = tpu.memref_squeeze %dma_wait3A_62 : memref<1x1x128x64xf32, #tpu.memory_space<hbm>> -> memref<128x64xf32, #tpu.memory_space<hbm>>
    %dma_wait3A_64 = arith.constant 0 : i32
    %dma_wait3A_65 = arith.constant 0 : i32
    %dma_wait3A_66 = tpu.memref_slice %arg4[%add3A, %dma_wait3A_59, %dma_wait3A_64, %dma_wait3A_65] : memref<32x200x128x64xf32, #tpu.memory_space<hbm>> -> memref<1x1x128x64xf32, #tpu.memory_space<hbm>>
    %dma_wait3A_67 = tpu.memref_squeeze %dma_wait3A_66 : memref<1x1x128x64xf32, #tpu.memory_space<hbm>> -> memref<128x64xf32, #tpu.memory_space<hbm>>
    tpu.wait_dma2 semaphore(%arg17 : memref<!tpu.dma_semaphore, #tpu.memory_space<semaphore_mem>>) src(%arg9 : memref<128x64xf32, #tpu.memory_space<vmem>>) dst(%dma_wait3A_67 : memref<128x64xf32, #tpu.memory_space<hbm>>)
    return
  }
}

</mosaic_0001>

<sc_bundles>
// kernel: kernel.3.cloned.1.call-start
scs
__scs_entry_jumppad:
0x0: {  	(pc) =	sbr.rel $0x88, $3  }
0x1: {  	(tag) =	ssettag $0x0;
	lr =	simm.s32 $0x1  }
0x2: {  	[smem:$0x3F9F] =	sst lr;
	_ =	strace $0xD0000000  }
0x3: {  	_ = 	snop  }
0x4: {  	_ = 	snop  }
0x5: {  	_ = 	snop  }
0x6: {  	_ = 	snop  }
0x7: {  	_ = 	snop  }
__scs_overlays_trampoline_lowered:
0x8: {  	[smem:$0x3FAE] =	sst s0  }
0x9: {  	[smem:$0x3FAF] =	sst s1  }
0xa: {  	[smem:$0x3FB0] =	sst s2  }
0xb: {  	[smem:$0x3FB1] =	sst s3  }
0xc: {  	[smem:$0x3FB2] =	sst s4  }
0xd: {  	[smem:$0x3FB3] =	sst s5  }
0xe: {  	[smem:$0x3FB4] =	sst s6  }
0xf: {  	[smem:$0x3FB5] =	sst s7  }
0x10: {  	[smem:$0x3FB6] =	sst s8  }
0x11: {  	[smem:$0x3FB7] =	sst s9;
	s0 =	simm.s32 @!p0 $0x0  }
0x12: {  	s1 =	sld [smem:$0x3F9D];
	s0 =	simm.s32 @p0 $0x1  }
0x13: {  	[smem:$0x3FB8] =	sst s0;
	s0 =	simm.s32 @!p1 $0x0  }
0x14: {  	s2 =	sld [smem:$0x3F9C];
	s0 =	simm.s32 @p1 $0x1  }
0x15: {  	[smem:$0x3FB9] =	sst s0;
	s0 =	simm.s32 @!p2 $0x0  }
0x16: {  	s3 =	sld [smem:$0x3FDB];
	s0 =	simm.s32 @p2 $0x1  }
0x17: {  	s4 =	simm.s32 $0x1BF5;
	[smem:$0x3FBB] =	sst s0  }
0x18: {  	s0 =	sld [smem:$0x3F9E];
	_ =	swait.ge [sflag:s4], $0x0  }
0x19: {  	s7 =	sld [smem:$0x3F9F]  }
0x1a: {  	s8 =	sadd.s32 $0xFFFFE003, lr  }
0x1b: {  	s9 =	sadd.s32 $0xFFFFFEF7, lr;
	s5 =	simm.s32 $0xFFFFFFFF;
	p2 =	slt.u32 s8, $0xFFFFF086  }
0x1c: {  	p1 =	slt.u32 s9, $0xF7A;
	s5 =	simm.s32 @!p2 $0x0  }
0x1d: {  	s5 =	simm.s32 @p1 $0x1;
	p0 =	seq.s32 s7, s2  }
0x1e: {  	s7 =	smul.u32 @!p0 $0xF7A, s2;
	p2 =	seq.s32 @!p0 s5, $0x0  }
0x1f: {  	s9 =	smul.u32 $0xF7A, s1;
	s8 =	simm.s32 @!p0 $0x1BF5;
	p2 =	por !p2, p0  }
0x20: {  	[sflag:s8] =	ssyncset.s32 @!p0 $0xFFFFF086;
	s6 =	sadd.s32 @!p0 s3, s7;
	s7 =	simm.s32 @!p0 $0x108  }
0x21: {  	s3 =	sadd.s32 s3, s9;
	s6 =	sadd.s32 @!p0 $0x88, s6;
	s7 =	simm.s32 @p2 $0x1082  }
0x22: {  	[simem:s7], [sflag:s8] =	dma.local @!p0 [hbm:s6], $0xF7A  }
0x23: {  	s9 =	sor.u32 $0xD0000000, s2;
	s6 =	simm.s32 $0x108;
	_ =	swait.ge @!p0 [sflag:s8], $0x0  }
0x24: {  	s3 =	sadd.s32 $0x88, s3;
	s6 =	simm.s32 @!p1 $0x1082;
	[sflag:s4] =	ssyncset.s32 $0xFFFFF086  }
0x25: {  	[simem:s6], [sflag:s4] =	dma.local [hbm:s3], $0xF7A  }
0x26: {  	[smem:$0x3F9F] =	sst s1;
	(tag) =	ssettag s2;
	_ =	strace s9  }
0x27: {  	s1 =	sld [smem:$0x3FAF]  }
0x28: {  	s2 =	sld [smem:$0x3FB0]  }
0x29: {  	s4 =	sld [smem:$0x3FB2]  }
0x2a: {  	p0 =	seq.s32 s5, $0x0;
	s5 =	sld [smem:$0x3FB3]  }
0x2b: {  	s6 =	sld [smem:$0x3FB4]  }
0x2c: {  	s7 =	sld [smem:$0x3FB5]  }
0x2d: {  	s3 =	simm.s32 $0x108;
	s8 =	sld [smem:$0x3FB6]  }
0x2e: {  	s3 =	simm.s32 @!p0 $0x1082;
	s9 =	sld [smem:$0x3FB7]  }
0x2f: {  	lr =	sadd.s32 s0, s3;
	s0 =	sld [smem:$0x3FAE]  }
0x30: {  	s3 =	sld [smem:$0x3FB1]  }
0x31: {  	[smem:$0x3FBA] =	sst s10  }
0x32: {  	s10 =	sld [smem:$0x3FB8];
	_ =	sdelay $0x3  }
0x33: {  	p0 =	seq.s32 s10, $0x1;
	s10 =	sld [smem:$0x3FBA];
	_ =	sdelay $0x3  }
0x34: {  	[smem:$0x3FBA] =	sst s10  }
0x35: {  	s10 =	sld [smem:$0x3FB9];
	_ =	sdelay $0x3  }
0x36: {  	p1 =	seq.s32 s10, $0x1;
	s10 =	sld [smem:$0x3FBA];
	_ =	sdelay $0x3  }
0x37: {  	[smem:$0x3FBA] =	sst s10  }
0x38: {  	s10 =	sld [smem:$0x3FBB]  }
0x39: {  	_ = 	snop;
	(pc) =	sbr.ind lr, $3  }
0x3a: {  	_ = 	snop  }
0x3b: {  	_ = 	snop  }
0x3c: {  	p2 =	seq.s32 s10, $0x1;
	s10 =	sld [smem:$0x3FBA]  }
0x3d: {  	_ =	shalt  }
0x3e: {  	_ =	shalt  }
0x3f: {  	_ =	shalt  }
0x40: {  	_ =	shalt  }
0x41: {  	_ =	shalt  }
0x42: {  	_ =	shalt  }
0x43: {  	_ =	shalt  }
0x44: {  	_ =	shalt  }
0x45: {  	_ =	shalt  }
0x46: {  	_ =	shalt  }
0x47: {  	_ =	shalt  }
0x48: {  	_ =	shalt  }
0x49: {  	_ =	shalt  }
0x4a: {  	_ =	shalt  }
0x4b: {  	_ =	shalt  }
0x4c: {  	_ =	shalt  }
0x4d: {  	_ =	shalt  }
0x4e: {  	_ =	shalt  }
0x4f: {  	_ =	shalt  }
0x50: {  	_ =	shalt  }
0x51: {  	_ =	shalt  }
0x52: {  	_ =	shalt  }
0x53: {  	_ =	shalt  }
0x54: {  	_ =	shalt  }
0x55: {  	_ =	shalt  }
0x56: {  	_ =	shalt  }
0x57: {  	_ =	shalt  }
0x58: {  	_ =	shalt  }
0x59: {  	_ =	shalt  }
0x5a: {  	_ =	shalt  }
0x5b: {  	_ =	shalt  }
0x5c: {  	_ =	shalt  }
0x5d: {  	_ =	shalt  }
0x5e: {  	_ =	shalt  }
0x5f: {  	_ =	shalt  }
0x60: {  	_ =	shalt  }
0x61: {  	_ =	shalt  }
0x62: {  	_ =	shalt  }
0x63: {  	_ =	shalt  }
0x64: {  	_ =	shalt  }
0x65: {  	_ =	shalt  }
0x66: {  	_ =	shalt  }
0x67: {  	_ =	shalt  }
0x68: {  	_ =	shalt  }
0x69: {  	_ =	shalt  }
0x6a: {  	_ =	shalt  }
0x6b: {  	_ =	shalt  }
0x6c: {  	_ =	shalt  }
0x6d: {  	_ =	shalt  }
0x6e: {  	_ =	shalt  }
0x6f: {  	_ =	shalt  }
0x70: {  	_ =	shalt  }
0x71: {  	_ =	shalt  }
0x72: {  	_ =	shalt  }
0x73: {  	_ =	shalt  }
0x74: {  	_ =	shalt  }
0x75: {  	_ =	shalt  }
0x76: {  	_ =	shalt  }
0x77: {  	_ =	shalt  }
0x78: {  	_ =	shalt  }
0x79: {  	_ =	shalt  }
0x7a: {  	_ =	shalt  }
0x7b: {  	_ =	shalt  }
0x7c: {  	_ =	shalt  }
0x7d: {  	_ =	shalt  }
0x7e: {  	_ =	shalt  }
0x7f: {  	_ =	shalt  }
0x80: {  	_ =	shalt  }
0x81: {  	_ =	shalt  }
0x82: {  	_ =	shalt  }
0x83: {  	_ =	shalt  }
0x84: {  	_ =	shalt  }
0x85: {  	_ =	shalt  }
0x86: {  	_ =	shalt  }
0x87: {  	_ =	shalt  }
.Lfunc_end0:
.L_simem_size_0:
called_computation.1_lowered:
.L_overlay_start_0:
0x88: {  	s2 =	sld [smem:$0x3FD9]  }
0x89: {  	s3 =	sld [smem:$0x3FFE];
	_ =	sdelay $0x1  }
0x8a: {  	s1 =	srdreg.scid  }
0x8b: {  	s0 =	sand.u32 $0x1, s1  }
0x8c: {  	s17 =	sshll.u32 s0, $0xA;
	s2 =	sadd.s32 s3, s2  }
0x8d: {  	s2 =	sadd.s32 s2, s17  }
0x8e: {  	[smem:$0x3FC6] =	sst s2  }
0x8f: {  	_ = 	snop  }
0x90: {  	s2 =	sld [smem:$0x3FD0];
	(tm) =	ssettm $0x1  }
0x91: {  	s18 =	sld [smem:$0x3FFB];
	_ =	sdelay $0x3  }
0x92: {  	_ =	strace s18  }
0x93: {  	s3 =	sld [smem:$0x3FFC];
	_ =	sdelay $0x3  }
0x94: {  	_ =	strace s3  }
0x95: {  	s3 =	sld [smem:$0x3FFD];
	_ =	sdelay $0x3  }
0x96: {  	_ =	strace s3  }
0x97: {  	_ =	strace $0x8FFFFFFF  }
0x98: {  	s19 =	sld [smem:$0x3FDB];
	_ =	sdelay $0x1  }
0x99: {  	s4 =	simm.s32 $_scs_section_size  }
0x9a: {  	s5 =	simm.s32 $_size__tile_overlayer_lowered;
	s6 =	simm.s32 $_tile_overlayer_lowered  }
0x9b: {  	s22 =	simm.s32 $0x1BFF;
	s21 =	sshll.u32 s6, $0x1;
	s3 =	sadd.s32 s4, s19  }
0x9c: {  	s7 =	simm.s32 $0x0;
	s20 =	sshll.u32 s5, $0x1;
	s5 =	sadd.s32 s21, s3  }
0x9d: {  	[timem:s7], [sflag:s22] =	dma.local [hbm:s5], s20  }
0x9e: {  	_ =	swait.ge [sflag:s22], s20  }
0x9f: {  	s4 =	ssub.s32 $0x0, s20;
	[sflag:s22] =	ssyncset.done $0x0  }
0xa0: {  	[sflag:s22] =	ssyncadd.s32 s4;
	_ =	sdelay $0x1  }
0xa1: {  	s23 =	simm.s32 $0x1B8B  }
0xa2: {  	_ =	swait.ge [sflag:s23], $0x1  }
0xa3: {  	[sflag:s23] =	ssyncset.done $0x0  }
0xa4: {  	s25 =	simm.s32 $0x1B8E;
	s24 =	sld [smem:$0x3FFE];
	[sflag:s23] =	ssyncadd.s32 $0xFFFFFFFF  }
0xa5: {  	s26 =	simm.s32 $execute0_lowered;
	[smem:$0x3FD2] =	sst s25  }
0xa6: {  	s5 =	sshll.u32 s26, $0x1;
	_ =	strace $0x80000046;
	[dreg:$0x1] =	wrdreg $0xFFFFFFFF  }
0xa7: {  	s28 =	simm.s32 $_size_execute0_lowered;
	s3 =	sadd.s32 s3, s5;
	[dreg:$0x0] =	wrdreg $0x0  }
0xa8: {  	s5 =	sshll.u32 s28, $0x1;
	[dreg:$0x2] =	wrdreg s3  }
0xa9: {  	[dreg:$0x3] =	wrdreg s5  }
0xaa: {  	[dreg:$0x4] =	wrdreg $0xC0  }
0xab: {  	_ =	task [dreg:s7], $0x5FFFF  }
0xac: {  	[dreg:$0x1] =	wrdreg $0xFFFFFFFF  }
0xad: {  	[dreg:$0x0] =	wrdreg $0x60  }
0xae: {  	[dreg:$0x2] =	wrdreg s24  }
0xaf: {  	[dreg:$0x3] =	wrdreg s2  }
0xb0: {  	[dreg:$0x4] =	wrdreg $0x9  }
0xb1: {  	_ =	task.clear_ibuf [dreg:s7], $0x5FFFF;
	_ =	strace $0x90000046  }
0xb2: {  	s29 =	simm.s32 $0x9;
	_ =	strace $0x80000048  }
0xb3: {  	_ =	swait.ge [sflag:s29], $0x1  }
0xb4: {  	[sflag:s29] =	ssyncadd.s32 $0xFFFFFFFF  }
0xb5: {  	_ =	strace $0x90000048  }
0xb6: {  	_ =	sfence  }
0xb7: {  	s30 =	sld [smem:$0x0];
	_ =	sdelay $0x2  }
0xb8: {  	s31 =	sshll.u32 s1, $0xD;
	s1 =	sshrl.u32 s1, $0x2  }
0xb9: {  	s3 =	sand.u32 $0x4000, s31;
	s1 =	sadd.s32 s1, s30  }
0xba: {  	s0 =	sor.u32 s3, s0;
	s1 =	sshll.u32 s1, $0x11  }
0xbb: {  	s0 =	sor.u32 s1, s0  }
0xbc: {  	s0 =	sadd.s32 $0x8F2B, s0  }
0xbd: {  	[sflag:s0] =	ssyncadd.remote.s32 $0x1  }
0xbe: {  	_ =	sfence.sel $0xFFFF  }
0xbf: {  	[dreg:$0x0] =	wrdreg $0xFFFFFFFF;
	(pc) =	sbr.abs _section_cstart, $3  }
0xc0: {  	[dreg:$0x1] =	wrdreg $0xFFFFFFFF  }
0xc1: {  	_ =	task.clear_ibuf [dreg:s7], $0x2FFFF;
	_ =	strace $0x9FFFFFFF  }
0xc2: {  	(tm) =	ssettm $0x7FFFFFFF  }
0xc3: {  	_ =	shalt  }
tec
execute0_lowered:
.L_overlay_start_1:
0x0: {  	(tag) =	ssettag $0x1  }
0x1: {  	s0 =	rddreg [dreg:$0x0];
	s1 =	srdreg.scid  }
0x2: {  	s3 =	stileid.u32;
	s2 =	rddreg [dreg:$0x1];
	s11 =	simm.s32 $0x9  }
0x3: {  	s12 =	simm.s32 $0x80;
	s13 =	simm.s32 $0x6400;
	s14 =	simm.s32 $0x8400  }
0x4: {  	s16 =	simm.s32 $0xA400;
	s18 =	simm.s32 $0xC400;
	s19 =	simm.s32 $0x1  }
0x5: {  	s20 =	simm.s32 $0x2;
	s21 =	simm.s32 $0x3;
	s22 =	simm.s32 $0x4  }
0x6: {  	s23 =	simm.s32 $0x5;
	s1 =	sand.u32 $0x1, s1;
	s4 =	sshll.u32 s3, $0x1  }
0x7: {  	s24 =	simm.s32 $0x6;
	s25 =	simm.s32 $0x7;
	s4 =	sor.u32 s1, s4  }
0x8: {  	s26 =	simm.s32 $0x8;
	s28 =	simm.s32 $0x0;
	s5 =	smul.u32 $0xC80, s4  }
.Ltmp0:
0x9: {  	s3 =	simm.s32 $0x0;
	s1 =	ssub.s32 $0x2, s1;
	(pc) =	sbr.rel .LBB2_1-.Ltmp0, $4  }
0xa: {  	[smem:$0x7FF] =	sst s3;
	s7 =	sshrl.u32 s1, $0x1;
	s4 =	smul.u32 $0x190000, s4  }
0xb: {  	_ =	strace $0x80000047;
	s31 =	ssub.s32 s1, s7;
	s6 =	sadd.s32 s5, s0  }
0xc: {  	s5 =	sadd.s32 $0xF42E00, s0;
	s7 =	sor.u32 $0x2000, s4;
	s8 =	sor.u32 $0x4000, s4  }
0xd: {  	s9 =	sor.u32 $0x6000, s4;
	s10 =	smax.u32 s31, $0x1;
	s6 =	sadd.s32 $0xA00, s6  }
.LBB2_12:
0xe: {  	_ =	swait.ge [sflag:s23], $0x2000  }
0xf: {  	[sflag:s23] =	ssyncset.done $0x0  }
0x10: {  	[sflag:s23] =	ssyncadd.s32 $0xFFFFE000  }
0x11: {  	_ =	swait.ge [sflag:s24], $0x2000  }
0x12: {  	[sflag:s24] =	ssyncset.done $0x0  }
0x13: {  	s28 =	sadd.s32 $0x1, s28;
	[sflag:s24] =	ssyncadd.s32 $0xFFFFE000  }
0x14: {  	p0 =	sne.s32 s28, s10;
	_ =	swait.ge [sflag:s25], $0x2000  }
.Ltmp1:
0x15: {  	[sflag:s25] =	ssyncset.done $0x0;
	(pc) =	sbr.rel @!p0 .LBB2_13-.Ltmp1, $4  }
0x16: {  	[sflag:s25] =	ssyncadd.s32 $0xFFFFE000  }
0x17: {  	_ =	swait.ge [sflag:s26], $0x2000  }
0x18: {  	[sflag:s26] =	ssyncset.done $0x0  }
0x19: {  	[sflag:s26] =	ssyncadd.s32 $0xFFFFE000  }
.LBB2_1:
0x1a: {  	[tilespmem:s3], [sflag:$0x9] =	stream.linear.gather [hbm4b:s6+s3], $0x6400, $0x38;
	[tilespmem:$0xE400] =	vst v63  }
0x1b: {  	_ =	swait.ge [sflag:s11], $0x6400  }
0x1c: {  	[sflag:s11] =	ssyncset.done $0x0  }
0x1d: {  	[sflag:s11] =	ssyncadd.s32 $0xFFFF9C00  }
0x1e: {  	[tilespmem:s13], [sflag:$0x1] =	stream.indirect.gather [hbm4b:s5+s12], $0x40, s3, s12, $0xb8;
	[tilespmem:$0xE400] =	vst v63  }
0x1f: {  	_ = 	snop  }
0x20: {  	[tilespmem:s14], [sflag:$0x2] =	stream.indirect.gather [hbm4b:s5+s12], $0x40, s12, s12, $0xb8;
	[tilespmem:$0xE400] =	vst v63  }
0x21: {  	s0 =	simm.s32 $0x100  }
0x22: {  	[tilespmem:s16], [sflag:$0x3] =	stream.indirect.gather [hbm4b:s5+s12], $0x40, s0, s12, $0xb8;
	[tilespmem:$0xE400] =	vst v63  }
0x23: {  	s31 =	simm.s32 $0x180;
	s29 =	simm.s32 $0x0  }
0x24: {  	[tilespmem:s18], [sflag:$0x4] =	stream.indirect.gather [hbm4b:s5+s12], $0x40, s31, s12, $0xb8;
	[tilespmem:$0xE400] =	vst v63  }
.LBB2_2:
0x25: {  	_ =	swait.ge [sflag:s19], $0x2000  }
0x26: {  	[sflag:s19] =	ssyncset.done $0x0  }
0x27: {  	s1 =	simm.s32 $0x0;
	[sflag:s19] =	ssyncadd.s32 $0xFFFFE000  }
0x28: {  	v0 =	vld [tilespmem:s1+$0x6400]  }
0x29: {  	v1 =	vld [tilespmem:s1+$0x6410]  }
0x2a: {  	v2 =	vld [tilespmem:s1+$0x6420]  }
0x2b: {  	v3 =	vld [tilespmem:s1+$0x6430]  }
0x2c: {  	v4 =	vld [tilespmem:s1+$0x6440]  }
0x2d: {  	v5 =	vld [tilespmem:s1+$0x6450];
	v0 =	vmul.f32 $8.000000000e+00, v0  }
0x2e: {  	v6 =	vld [tilespmem:s1+$0x6460];
	v1 =	vmul.f32 $8.000000000e+00, v1  }
0x2f: {  	v7 =	vld [tilespmem:s1+$0x6470];
	[tilespmem:s1+$0x6400] =	vst v0;
	v0 =	vmul.f32 $8.000000000e+00, v2  }
0x30: {  	v8 =	vld [tilespmem:s1+$0x6480];
	[tilespmem:s1+$0x6410] =	vst v1;
	v1 =	vmul.f32 $8.000000000e+00, v3  }
0x31: {  	v9 =	vld [tilespmem:s1+$0x6490];
	[tilespmem:s1+$0x6420] =	vst v0;
	v0 =	vmul.f32 $8.000000000e+00, v4  }
0x32: {  	v2 =	vmul.f32 $8.000000000e+00, v5;
	[tilespmem:s1+$0x6430] =	vst v1;
	v1 =	vld [tilespmem:s1+$0x64A0]  }
0x33: {  	v3 =	vmul.f32 $8.000000000e+00, v6;
	[tilespmem:s1+$0x6440] =	vst v0;
	v0 =	vld [tilespmem:s1+$0x64B0]  }
0x34: {  	[tilespmem:s1+$0x6450] =	vst v2;
	v2 =	vld [tilespmem:s1+$0x64C0];
	v4 =	vmul.f32 $8.000000000e+00, v7  }
0x35: {  	v6 =	vmul.f32 $8.000000000e+00, v8;
	[tilespmem:s1+$0x6460] =	vst v3;
	v3 =	vld [tilespmem:s1+$0x64D0]  }
0x36: {  	s0 =	simm.s32 $0x400;
	v5 =	vmul.f32 $8.000000000e+00, v9;
	[tilespmem:s1+$0x6470] =	vst v4;
	v4 =	vld [tilespmem:s1+$0x64E0]  }
.LBB2_3:
0x37: {  	s15 =	sshra.s32 s0, $0x2;
	p0 =	sne.s32 s0, $0x7C00;
	[tilespmem:s1+$0x6480] =	vst v6;
	v1 =	vmul.f32 $8.000000000e+00, v1;
	v6 =	vld [tilespmem:s1+$0x64F0]  }
0x38: {  	v7 =	vld [tilespmem:s15+$0x6400];
	[tilespmem:s1+$0x6490] =	vst v5;
	v0 =	vmul.f32 $8.000000000e+00, v0  }
0x39: {  	v5 =	vld [tilespmem:s15+$0x6410];
	[tilespmem:s1+$0x64A0] =	vst v1;
	v1 =	vmul.f32 $8.000000000e+00, v2  }
0x3a: {  	v2 =	vld [tilespmem:s15+$0x6420];
	[tilespmem:s1+$0x64B0] =	vst v0;
	v0 =	vmul.f32 $8.000000000e+00, v3  }
0x3b: {  	v3 =	vld [tilespmem:s15+$0x6430];
	[tilespmem:s1+$0x64C0] =	vst v1;
	v1 =	vmul.f32 $8.000000000e+00, v4  }
0x3c: {  	v4 =	vld [tilespmem:s15+$0x6440];
	[tilespmem:s1+$0x64D0] =	vst v0;
	v0 =	vmul.f32 $8.000000000e+00, v6  }
0x3d: {  	v6 =	vmul.f32 $8.000000000e+00, v7;
	v7 =	vld [tilespmem:s15+$0x6450];
	[tilespmem:s1+$0x64E0] =	vst v1  }
0x3e: {  	v1 =	vmul.f32 $8.000000000e+00, v5;
	v5 =	vld [tilespmem:s15+$0x6460];
	[tilespmem:s1+$0x64F0] =	vst v0;
	s1 =	smov.u32 s15  }
0x3f: {  	[tilespmem:s1+$0x6400] =	vst v6;
	v0 =	vmul.f32 $8.000000000e+00, v2;
	v2 =	vld [tilespmem:s1+$0x6470]  }
0x40: {  	[tilespmem:s1+$0x6410] =	vst v1;
	v1 =	vmul.f32 $8.000000000e+00, v3;
	v3 =	vld [tilespmem:s1+$0x6480]  }
0x41: {  	[tilespmem:s1+$0x6420] =	vst v0;
	v0 =	vmul.f32 $8.000000000e+00, v4;
	v4 =	vld [tilespmem:s1+$0x6490]  }
.Ltmp2:
0x42: {  	[tilespmem:s1+$0x6430] =	vst v1;
	v6 =	vmul.f32 $8.000000000e+00, v7;
	v1 =	vld [tilespmem:s1+$0x64A0];
	(pc) =	sbr.rel @p0 .LBB2_3-.Ltmp2, $4  }
0x43: {  	[tilespmem:s1+$0x6440] =	vst v0;
	v5 =	vmul.f32 $8.000000000e+00, v5;
	v0 =	vld [tilespmem:s1+$0x64B0]  }
0x44: {  	[tilespmem:s1+$0x6450] =	vst v6;
	v7 =	vmul.f32 $8.000000000e+00, v2;
	v2 =	vld [tilespmem:s1+$0x64C0]  }
0x45: {  	[tilespmem:s1+$0x6460] =	vst v5;
	v6 =	vmul.f32 $8.000000000e+00, v3;
	v3 =	vld [tilespmem:s1+$0x64D0]  }
0x46: {  	s0 =	sadd.s32 $0x400, s0;
	[tilespmem:s1+$0x6470] =	vst v7;
	v5 =	vmul.f32 $8.000000000e+00, v4;
	v4 =	vld [tilespmem:s1+$0x64E0]  }
0x47: {  	[tilespmem:s1+$0x6480] =	vst v6;
	v1 =	vmul.f32 $8.000000000e+00, v1;
	v6 =	vld [tilespmem:s1+$0x64F0]  }
0x48: {  	[tilespmem:s1+$0x6490] =	vst v5;
	v0 =	vmul.f32 $8.000000000e+00, v0  }
0x49: {  	[tilespmem:s1+$0x64A0] =	vst v1;
	v1 =	vmul.f32 $8.000000000e+00, v2  }
0x4a: {  	[tilespmem:s1+$0x64B0] =	vst v0;
	v0 =	vmul.f32 $8.000000000e+00, v3  }
0x4b: {  	s30 =	sshll.u32 s29, $0xF;
	[tilespmem:s1+$0x64C0] =	vst v1;
	v1 =	vmul.f32 $8.000000000e+00, v4  }
0x4c: {  	s0 =	sadd.s32 s4, s30;
	[tilespmem:s1+$0x64D0] =	vst v0;
	v0 =	vmul.f32 $8.000000000e+00, v6  }
0x4d: {  	s0 =	sshrl.u32 s0, $0x3;
	[tilespmem:s1+$0x64E0] =	vst v1  }
0x4e: {  	p0 =	seq.s32 s29, $0x31;
	s0 =	sadd.s32 s2, s0;
	[tilespmem:s1+$0x64F0] =	vst v0  }
0x4f: {  	[hbm4b:s0+s3] =	stream.linear.scatter [tilespmem:s13], [sflag:$0x5], $0x2000, $0x38;
	[tilespmem:$0xE400] =	vst v63  }
0x50: {  	s0 =	simm.s32 @!p0 $0x5  }
0x51: {  	s31 =	sshll.u32 s29, $0xB;
	_ =	swait.ge @!p0 [sflag:s0], $0x2000  }
0x52: {  	s15 =	simm.s32 @!p0 $0x80;
	s1 =	sshrl.u32 @!p0 s31, $0x2;
	[sflag:s0] =	ssyncset.done @!p0 $0x0  }
0x53: {  	s17 =	simm.s32 @!p0 $0x6400;
	[sflag:s0] =	ssyncadd.s32 @!p0 $0xFFFFE000;
	s0 =	sadd.s32 @!p0 $0x200, s1  }
0x54: {  	[tilespmem:s17], [sflag:$0x1] =	stream.indirect.gather @!p0 [hbm4b:s5+s15], $0x40, s0, s15, $0xb8;
	[tilespmem:$0xE400] =	vst v63  }
0x55: {  	_ =	swait.ge [sflag:s20], $0x2000  }
0x56: {  	[sflag:s20] =	ssyncset.done $0x0  }
0x57: {  	s0 =	simm.s32 $0x0;
	[sflag:s20] =	ssyncadd.s32 $0xFFFFE000  }
0x58: {  	v0 =	vld [tilespmem:s0+$0x8400]  }
0x59: {  	v1 =	vld [tilespmem:s0+$0x8410]  }
0x5a: {  	v2 =	vld [tilespmem:s0+$0x8420]  }
0x5b: {  	v3 =	vld [tilespmem:s0+$0x8430]  }
0x5c: {  	v4 =	vld [tilespmem:s0+$0x8440]  }
0x5d: {  	v5 =	vld [tilespmem:s0+$0x8450];
	v0 =	vmul.f32 $8.000000000e+00, v0  }
0x5e: {  	v6 =	vld [tilespmem:s0+$0x8460];
	v1 =	vmul.f32 $8.000000000e+00, v1  }
0x5f: {  	v7 =	vld [tilespmem:s0+$0x8470];
	[tilespmem:s0+$0x8400] =	vst v0;
	v0 =	vmul.f32 $8.000000000e+00, v2  }
0x60: {  	v8 =	vld [tilespmem:s0+$0x8480];
	[tilespmem:s0+$0x8410] =	vst v1;
	v1 =	vmul.f32 $8.000000000e+00, v3  }
0x61: {  	v9 =	vld [tilespmem:s0+$0x8490];
	[tilespmem:s0+$0x8420] =	vst v0;
	v0 =	vmul.f32 $8.000000000e+00, v4  }
0x62: {  	v2 =	vmul.f32 $8.000000000e+00, v5;
	[tilespmem:s0+$0x8430] =	vst v1;
	v1 =	vld [tilespmem:s0+$0x84A0]  }
0x63: {  	v3 =	vmul.f32 $8.000000000e+00, v6;
	[tilespmem:s0+$0x8440] =	vst v0;
	v0 =	vld [tilespmem:s0+$0x84B0]  }
0x64: {  	[tilespmem:s0+$0x8450] =	vst v2;
	v2 =	vld [tilespmem:s0+$0x84C0];
	v4 =	vmul.f32 $8.000000000e+00, v7  }
0x65: {  	v6 =	vmul.f32 $8.000000000e+00, v8;
	[tilespmem:s0+$0x8460] =	vst v3;
	v3 =	vld [tilespmem:s0+$0x84D0]  }
0x66: {  	s15 =	simm.s32 $0x400;
	v5 =	vmul.f32 $8.000000000e+00, v9;
	[tilespmem:s0+$0x8470] =	vst v4;
	v4 =	vld [tilespmem:s0+$0x84E0]  }
.LBB2_5:
0x67: {  	s17 =	sshra.s32 s15, $0x2;
	p1 =	sne.s32 s15, $0x7C00;
	[tilespmem:s0+$0x8480] =	vst v6;
	v1 =	vmul.f32 $8.000000000e+00, v1;
	v6 =	vld [tilespmem:s0+$0x84F0]  }
0x68: {  	v7 =	vld [tilespmem:s17+$0x8400];
	[tilespmem:s0+$0x8490] =	vst v5;
	v0 =	vmul.f32 $8.000000000e+00, v0  }
0x69: {  	v5 =	vld [tilespmem:s17+$0x8410];
	[tilespmem:s0+$0x84A0] =	vst v1;
	v1 =	vmul.f32 $8.000000000e+00, v2  }
0x6a: {  	v2 =	vld [tilespmem:s17+$0x8420];
	[tilespmem:s0+$0x84B0] =	vst v0;
	v0 =	vmul.f32 $8.000000000e+00, v3  }
0x6b: {  	v3 =	vld [tilespmem:s17+$0x8430];
	[tilespmem:s0+$0x84C0] =	vst v1;
	v1 =	vmul.f32 $8.000000000e+00, v4  }
0x6c: {  	v4 =	vld [tilespmem:s17+$0x8440];
	[tilespmem:s0+$0x84D0] =	vst v0;
	v0 =	vmul.f32 $8.000000000e+00, v6  }
0x6d: {  	v6 =	vmul.f32 $8.000000000e+00, v7;
	v7 =	vld [tilespmem:s17+$0x8450];
	[tilespmem:s0+$0x84E0] =	vst v1  }
0x6e: {  	v1 =	vmul.f32 $8.000000000e+00, v5;
	v5 =	vld [tilespmem:s17+$0x8460];
	[tilespmem:s0+$0x84F0] =	vst v0;
	s0 =	smov.u32 s17  }
0x6f: {  	[tilespmem:s0+$0x8400] =	vst v6;
	v0 =	vmul.f32 $8.000000000e+00, v2;
	v2 =	vld [tilespmem:s0+$0x8470]  }
0x70: {  	[tilespmem:s0+$0x8410] =	vst v1;
	v1 =	vmul.f32 $8.000000000e+00, v3;
	v3 =	vld [tilespmem:s0+$0x8480]  }
0x71: {  	[tilespmem:s0+$0x8420] =	vst v0;
	v0 =	vmul.f32 $8.000000000e+00, v4;
	v4 =	vld [tilespmem:s0+$0x8490]  }
.Ltmp3:
0x72: {  	[tilespmem:s0+$0x8430] =	vst v1;
	v6 =	vmul.f32 $8.000000000e+00, v7;
	v1 =	vld [tilespmem:s0+$0x84A0];
	(pc) =	sbr.rel @p1 .LBB2_5-.Ltmp3, $4  }
0x73: {  	[tilespmem:s0+$0x8440] =	vst v0;
	v5 =	vmul.f32 $8.000000000e+00, v5;
	v0 =	vld [tilespmem:s0+$0x84B0]  }
0x74: {  	[tilespmem:s0+$0x8450] =	vst v6;
	v7 =	vmul.f32 $8.000000000e+00, v2;
	v2 =	vld [tilespmem:s0+$0x84C0]  }
0x75: {  	[tilespmem:s0+$0x8460] =	vst v5;
	v6 =	vmul.f32 $8.000000000e+00, v3;
	v3 =	vld [tilespmem:s0+$0x84D0]  }
0x76: {  	s15 =	sadd.s32 $0x400, s15;
	[tilespmem:s0+$0x8470] =	vst v7;
	v5 =	vmul.f32 $8.000000000e+00, v4;
	v4 =	vld [tilespmem:s0+$0x84E0]  }
0x77: {  	[tilespmem:s0+$0x8480] =	vst v6;
	v1 =	vmul.f32 $8.000000000e+00, v1;
	v6 =	vld [tilespmem:s0+$0x84F0]  }
0x78: {  	[tilespmem:s0+$0x8490] =	vst v5;
	v0 =	vmul.f32 $8.000000000e+00, v0  }
0x79: {  	[tilespmem:s0+$0x84A0] =	vst v1;
	v1 =	vmul.f32 $8.000000000e+00, v2  }
0x7a: {  	[tilespmem:s0+$0x84B0] =	vst v0;
	v0 =	vmul.f32 $8.000000000e+00, v3  }
0x7b: {  	[tilespmem:s0+$0x84C0] =	vst v1;
	v1 =	vmul.f32 $8.000000000e+00, v4  }
0x7c: {  	s15 =	sadd.s32 s30, s7;
	[tilespmem:s0+$0x84D0] =	vst v0;
	v0 =	vmul.f32 $8.000000000e+00, v6  }
0x7d: {  	s15 =	sshrl.u32 s15, $0x3;
	[tilespmem:s0+$0x84E0] =	vst v1  }
0x7e: {  	s17 =	sadd.s32 s2, s15;
	[tilespmem:s0+$0x84F0] =	vst v0;
	s0 =	simm.s32 @!p0 $0x6  }
0x7f: {  	[hbm4b:s17+s3] =	stream.linear.scatter [tilespmem:s14], [sflag:$0x6], $0x2000, $0x38;
	[tilespmem:$0xE400] =	vst v63  }
0x80: {  	_ =	swait.ge @!p0 [sflag:s0], $0x2000  }
0x81: {  	s15 =	simm.s32 @!p0 $0x80;
	[sflag:s0] =	ssyncset.done @!p0 $0x0  }
0x82: {  	s17 =	simm.s32 @!p0 $0x8400;
	[sflag:s0] =	ssyncadd.s32 @!p0 $0xFFFFE000;
	s0 =	sadd.s32 @!p0 $0x280, s1  }
0x83: {  	[tilespmem:s17], [sflag:$0x2] =	stream.indirect.gather @!p0 [hbm4b:s5+s15], $0x40, s0, s15, $0xb8;
	[tilespmem:$0xE400] =	vst v63  }
0x84: {  	_ =	swait.ge [sflag:s21], $0x2000  }
0x85: {  	[sflag:s21] =	ssyncset.done $0x0  }
0x86: {  	s0 =	simm.s32 $0x0;
	[sflag:s21] =	ssyncadd.s32 $0xFFFFE000  }
0x87: {  	v0 =	vld [tilespmem:s0+$0xA400]  }
0x88: {  	v1 =	vld [tilespmem:s0+$0xA410]  }
0x89: {  	v2 =	vld [tilespmem:s0+$0xA420]  }
0x8a: {  	v3 =	vld [tilespmem:s0+$0xA430]  }
0x8b: {  	v4 =	vld [tilespmem:s0+$0xA440]  }
0x8c: {  	v5 =	vld [tilespmem:s0+$0xA450];
	v0 =	vmul.f32 $8.000000000e+00, v0  }
0x8d: {  	v6 =	vld [tilespmem:s0+$0xA460];
	v1 =	vmul.f32 $8.000000000e+00, v1  }
0x8e: {  	v7 =	vld [tilespmem:s0+$0xA470];
	[tilespmem:s0+$0xA400] =	vst v0;
	v0 =	vmul.f32 $8.000000000e+00, v2  }
0x8f: {  	v8 =	vld [tilespmem:s0+$0xA480];
	[tilespmem:s0+$0xA410] =	vst v1;
	v1 =	vmul.f32 $8.000000000e+00, v3  }
0x90: {  	v9 =	vld [tilespmem:s0+$0xA490];
	[tilespmem:s0+$0xA420] =	vst v0;
	v0 =	vmul.f32 $8.000000000e+00, v4  }
0x91: {  	v2 =	vmul.f32 $8.000000000e+00, v5;
	[tilespmem:s0+$0xA430] =	vst v1;
	v1 =	vld [tilespmem:s0+$0xA4A0]  }
0x92: {  	v3 =	vmul.f32 $8.000000000e+00, v6;
	[tilespmem:s0+$0xA440] =	vst v0;
	v0 =	vld [tilespmem:s0+$0xA4B0]  }
0x93: {  	[tilespmem:s0+$0xA450] =	vst v2;
	v2 =	vld [tilespmem:s0+$0xA4C0];
	v4 =	vmul.f32 $8.000000000e+00, v7  }
0x94: {  	v6 =	vmul.f32 $8.000000000e+00, v8;
	[tilespmem:s0+$0xA460] =	vst v3;
	v3 =	vld [tilespmem:s0+$0xA4D0]  }
0x95: {  	s15 =	simm.s32 $0x400;
	v5 =	vmul.f32 $8.000000000e+00, v9;
	[tilespmem:s0+$0xA470] =	vst v4;
	v4 =	vld [tilespmem:s0+$0xA4E0]  }
.LBB2_7:
0x96: {  	s17 =	sshra.s32 s15, $0x2;
	p1 =	sne.s32 s15, $0x7C00;
	[tilespmem:s0+$0xA480] =	vst v6;
	v1 =	vmul.f32 $8.000000000e+00, v1;
	v6 =	vld [tilespmem:s0+$0xA4F0]  }
0x97: {  	v7 =	vld [tilespmem:s17+$0xA400];
	[tilespmem:s0+$0xA490] =	vst v5;
	v0 =	vmul.f32 $8.000000000e+00, v0  }
0x98: {  	v5 =	vld [tilespmem:s17+$0xA410];
	[tilespmem:s0+$0xA4A0] =	vst v1;
	v1 =	vmul.f32 $8.000000000e+00, v2  }
0x99: {  	v2 =	vld [tilespmem:s17+$0xA420];
	[tilespmem:s0+$0xA4B0] =	vst v0;
	v0 =	vmul.f32 $8.000000000e+00, v3  }
0x9a: {  	v3 =	vld [tilespmem:s17+$0xA430];
	[tilespmem:s0+$0xA4C0] =	vst v1;
	v1 =	vmul.f32 $8.000000000e+00, v4  }
0x9b: {  	v4 =	vld [tilespmem:s17+$0xA440];
	[tilespmem:s0+$0xA4D0] =	vst v0;
	v0 =	vmul.f32 $8.000000000e+00, v6  }
0x9c: {  	v6 =	vmul.f32 $8.000000000e+00, v7;
	v7 =	vld [tilespmem:s17+$0xA450];
	[tilespmem:s0+$0xA4E0] =	vst v1  }
0x9d: {  	v1 =	vmul.f32 $8.000000000e+00, v5;
	v5 =	vld [tilespmem:s17+$0xA460];
	[tilespmem:s0+$0xA4F0] =	vst v0;
	s0 =	smov.u32 s17  }
0x9e: {  	[tilespmem:s0+$0xA400] =	vst v6;
	v0 =	vmul.f32 $8.000000000e+00, v2;
	v2 =	vld [tilespmem:s0+$0xA470]  }
0x9f: {  	[tilespmem:s0+$0xA410] =	vst v1;
	v1 =	vmul.f32 $8.000000000e+00, v3;
	v3 =	vld [tilespmem:s0+$0xA480]  }
0xa0: {  	[tilespmem:s0+$0xA420] =	vst v0;
	v0 =	vmul.f32 $8.000000000e+00, v4;
	v4 =	vld [tilespmem:s0+$0xA490]  }
.Ltmp4:
0xa1: {  	[tilespmem:s0+$0xA430] =	vst v1;
	v6 =	vmul.f32 $8.000000000e+00, v7;
	v1 =	vld [tilespmem:s0+$0xA4A0];
	(pc) =	sbr.rel @p1 .LBB2_7-.Ltmp4, $4  }
0xa2: {  	[tilespmem:s0+$0xA440] =	vst v0;
	v5 =	vmul.f32 $8.000000000e+00, v5;
	v0 =	vld [tilespmem:s0+$0xA4B0]  }
0xa3: {  	[tilespmem:s0+$0xA450] =	vst v6;
	v7 =	vmul.f32 $8.000000000e+00, v2;
	v2 =	vld [tilespmem:s0+$0xA4C0]  }
0xa4: {  	[tilespmem:s0+$0xA460] =	vst v5;
	v6 =	vmul.f32 $8.000000000e+00, v3;
	v3 =	vld [tilespmem:s0+$0xA4D0]  }
0xa5: {  	s15 =	sadd.s32 $0x400, s15;
	[tilespmem:s0+$0xA470] =	vst v7;
	v5 =	vmul.f32 $8.000000000e+00, v4;
	v4 =	vld [tilespmem:s0+$0xA4E0]  }
0xa6: {  	[tilespmem:s0+$0xA480] =	vst v6;
	v1 =	vmul.f32 $8.000000000e+00, v1;
	v6 =	vld [tilespmem:s0+$0xA4F0]  }
0xa7: {  	[tilespmem:s0+$0xA490] =	vst v5;
	v0 =	vmul.f32 $8.000000000e+00, v0  }
0xa8: {  	[tilespmem:s0+$0xA4A0] =	vst v1;
	v1 =	vmul.f32 $8.000000000e+00, v2  }
0xa9: {  	[tilespmem:s0+$0xA4B0] =	vst v0;
	v0 =	vmul.f32 $8.000000000e+00, v3  }
0xaa: {  	[tilespmem:s0+$0xA4C0] =	vst v1;
	v1 =	vmul.f32 $8.000000000e+00, v4  }
0xab: {  	s15 =	sadd.s32 s30, s8;
	[tilespmem:s0+$0xA4D0] =	vst v0;
	v0 =	vmul.f32 $8.000000000e+00, v6  }
0xac: {  	s15 =	sshrl.u32 s15, $0x3;
	[tilespmem:s0+$0xA4E0] =	vst v1  }
0xad: {  	s17 =	sadd.s32 s2, s15;
	[tilespmem:s0+$0xA4F0] =	vst v0;
	s0 =	simm.s32 @!p0 $0x7  }
0xae: {  	[hbm4b:s17+s3] =	stream.linear.scatter [tilespmem:s16], [sflag:$0x7], $0x2000, $0x38;
	[tilespmem:$0xE400] =	vst v63  }
0xaf: {  	_ =	swait.ge @!p0 [sflag:s0], $0x2000  }
0xb0: {  	s15 =	simm.s32 @!p0 $0xA400;
	[sflag:s0] =	ssyncset.done @!p0 $0x0  }
0xb1: {  	[sflag:s0] =	ssyncadd.s32 @!p0 $0xFFFFE000;
	s0 =	sadd.s32 @!p0 $0x300, s1;
	s1 =	simm.s32 @!p0 $0x80  }
0xb2: {  	[tilespmem:s15], [sflag:$0x3] =	stream.indirect.gather @!p0 [hbm4b:s5+s1], $0x40, s0, s1, $0xb8;
	[tilespmem:$0xE400] =	vst v63  }
0xb3: {  	_ =	swait.ge [sflag:s22], $0x2000  }
0xb4: {  	[sflag:s22] =	ssyncset.done $0x0  }
0xb5: {  	s0 =	simm.s32 $0x0;
	[sflag:s22] =	ssyncadd.s32 $0xFFFFE000  }
0xb6: {  	v0 =	vld [tilespmem:s0+$0xC400]  }
0xb7: {  	v1 =	vld [tilespmem:s0+$0xC410]  }
0xb8: {  	v2 =	vld [tilespmem:s0+$0xC420]  }
0xb9: {  	v3 =	vld [tilespmem:s0+$0xC430]  }
0xba: {  	v4 =	vld [tilespmem:s0+$0xC440]  }
0xbb: {  	v5 =	vld [tilespmem:s0+$0xC450];
	v0 =	vmul.f32 $8.000000000e+00, v0  }
0xbc: {  	v6 =	vld [tilespmem:s0+$0xC460];
	v1 =	vmul.f32 $8.000000000e+00, v1  }
0xbd: {  	v7 =	vld [tilespmem:s0+$0xC470];
	[tilespmem:s0+$0xC400] =	vst v0;
	v0 =	vmul.f32 $8.000000000e+00, v2  }
0xbe: {  	v8 =	vld [tilespmem:s0+$0xC480];
	[tilespmem:s0+$0xC410] =	vst v1;
	v1 =	vmul.f32 $8.000000000e+00, v3  }
0xbf: {  	v9 =	vld [tilespmem:s0+$0xC490];
	[tilespmem:s0+$0xC420] =	vst v0;
	v0 =	vmul.f32 $8.000000000e+00, v4  }
0xc0: {  	v2 =	vmul.f32 $8.000000000e+00, v5;
	[tilespmem:s0+$0xC430] =	vst v1;
	v1 =	vld [tilespmem:s0+$0xC4A0]  }
0xc1: {  	v3 =	vmul.f32 $8.000000000e+00, v6;
	[tilespmem:s0+$0xC440] =	vst v0;
	v0 =	vld [tilespmem:s0+$0xC4B0]  }
0xc2: {  	[tilespmem:s0+$0xC450] =	vst v2;
	v2 =	vld [tilespmem:s0+$0xC4C0];
	v4 =	vmul.f32 $8.000000000e+00, v7  }
0xc3: {  	v6 =	vmul.f32 $8.000000000e+00, v8;
	[tilespmem:s0+$0xC460] =	vst v3;
	v3 =	vld [tilespmem:s0+$0xC4D0]  }
0xc4: {  	s1 =	simm.s32 $0x400;
	v5 =	vmul.f32 $8.000000000e+00, v9;
	[tilespmem:s0+$0xC470] =	vst v4;
	v4 =	vld [tilespmem:s0+$0xC4E0]  }
.LBB2_9:
0xc5: {  	s15 =	sshra.s32 s1, $0x2;
	p1 =	sne.s32 s1, $0x7C00;
	[tilespmem:s0+$0xC480] =	vst v6;
	v1 =	vmul.f32 $8.000000000e+00, v1;
	v6 =	vld [tilespmem:s0+$0xC4F0]  }
0xc6: {  	v7 =	vld [tilespmem:s15+$0xC400];
	[tilespmem:s0+$0xC490] =	vst v5;
	v0 =	vmul.f32 $8.000000000e+00, v0  }
0xc7: {  	v5 =	vld [tilespmem:s15+$0xC410];
	[tilespmem:s0+$0xC4A0] =	vst v1;
	v1 =	vmul.f32 $8.000000000e+00, v2  }
0xc8: {  	v2 =	vld [tilespmem:s15+$0xC420];
	[tilespmem:s0+$0xC4B0] =	vst v0;
	v0 =	vmul.f32 $8.000000000e+00, v3  }
0xc9: {  	v3 =	vld [tilespmem:s15+$0xC430];
	[tilespmem:s0+$0xC4C0] =	vst v1;
	v1 =	vmul.f32 $8.000000000e+00, v4  }
0xca: {  	v4 =	vld [tilespmem:s15+$0xC440];
	[tilespmem:s0+$0xC4D0] =	vst v0;
	v0 =	vmul.f32 $8.000000000e+00, v6  }
0xcb: {  	v6 =	vmul.f32 $8.000000000e+00, v7;
	v7 =	vld [tilespmem:s15+$0xC450];
	[tilespmem:s0+$0xC4E0] =	vst v1  }
0xcc: {  	v1 =	vmul.f32 $8.000000000e+00, v5;
	v5 =	vld [tilespmem:s15+$0xC460];
	[tilespmem:s0+$0xC4F0] =	vst v0;
	s0 =	smov.u32 s15  }
0xcd: {  	[tilespmem:s0+$0xC400] =	vst v6;
	v0 =	vmul.f32 $8.000000000e+00, v2;
	v2 =	vld [tilespmem:s0+$0xC470]  }
0xce: {  	[tilespmem:s0+$0xC410] =	vst v1;
	v1 =	vmul.f32 $8.000000000e+00, v3;
	v3 =	vld [tilespmem:s0+$0xC480]  }
0xcf: {  	[tilespmem:s0+$0xC420] =	vst v0;
	v0 =	vmul.f32 $8.000000000e+00, v4;
	v4 =	vld [tilespmem:s0+$0xC490]  }
.Ltmp5:
0xd0: {  	[tilespmem:s0+$0xC430] =	vst v1;
	v6 =	vmul.f32 $8.000000000e+00, v7;
	v1 =	vld [tilespmem:s0+$0xC4A0];
	(pc) =	sbr.rel @p1 .LBB2_9-.Ltmp5, $4  }
0xd1: {  	[tilespmem:s0+$0xC440] =	vst v0;
	v5 =	vmul.f32 $8.000000000e+00, v5;
	v0 =	vld [tilespmem:s0+$0xC4B0]  }
0xd2: {  	[tilespmem:s0+$0xC450] =	vst v6;
	v7 =	vmul.f32 $8.000000000e+00, v2;
	v2 =	vld [tilespmem:s0+$0xC4C0]  }
0xd3: {  	[tilespmem:s0+$0xC460] =	vst v5;
	v6 =	vmul.f32 $8.000000000e+00, v3;
	v3 =	vld [tilespmem:s0+$0xC4D0]  }
0xd4: {  	s1 =	sadd.s32 $0x400, s1;
	[tilespmem:s0+$0xC470] =	vst v7;
	v5 =	vmul.f32 $8.000000000e+00, v4;
	v4 =	vld [tilespmem:s0+$0xC4E0]  }
0xd5: {  	[tilespmem:s0+$0xC480] =	vst v6;
	v1 =	vmul.f32 $8.000000000e+00, v1;
	v59 =	vld [tilespmem:s0+$0xC4F0]  }
0xd6: {  	[tilespmem:s0+$0xC490] =	vst v5;
	v0 =	vmul.f32 $8.000000000e+00, v0  }
0xd7: {  	[tilespmem:s0+$0xC4A0] =	vst v1;
	v60 =	vmul.f32 $8.000000000e+00, v2  }
0xd8: {  	[tilespmem:s0+$0xC4B0] =	vst v0;
	v61 =	vmul.f32 $8.000000000e+00, v3  }
.Ltmp6:
0xd9: {  	[tilespmem:s0+$0xC4C0] =	vst v60;
	v62 =	vmul.f32 $8.000000000e+00, v4;
	(pc) =	sbr.rel @p0 .LBB2_12-.Ltmp6, $4  }
0xda: {  	s1 =	sadd.s32 s30, s9;
	[tilespmem:s0+$0xC4D0] =	vst v61;
	v63 =	vmul.f32 $8.000000000e+00, v59  }
0xdb: {  	s1 =	sshrl.u32 s1, $0x3;
	[tilespmem:s0+$0xC4E0] =	vst v62  }
0xdc: {  	s30 =	sadd.s32 s2, s1;
	[tilespmem:s0+$0xC4F0] =	vst v63  }
0xdd: {  	[hbm4b:s30+s3] =	stream.linear.scatter [tilespmem:s18], [sflag:$0x8], $0x2000, $0x38;
	[tilespmem:$0xE400] =	vst v63  }
.Ltmp7:
0xde: {  	(pc) =	sbr.rel .LBB2_2-.Ltmp7, $4  }
0xdf: {  	_ =	swait.ge [sflag:s26], $0x2000  }
0xe0: {  	s0 =	sshrl.u32 s31, $0x2;
	[sflag:s26] =	ssyncset.done $0x0  }
0xe1: {  	s29 =	sadd.s32 $0x1, s29;
	s0 =	sadd.s32 $0x380, s0;
	[sflag:s26] =	ssyncadd.s32 $0xFFFFE000  }
0xe2: {  	[tilespmem:s18], [sflag:$0x4] =	stream.indirect.gather [hbm4b:s5+s12], $0x40, s0, s12, $0xb8;
	[tilespmem:$0xE400] =	vst v63  }
.LBB2_13:
0xe3: {  	_ =	sfence.sel $0x180000  }
0xe4: {  	[bflag:$0x0] =	sbarrier.arrive $0xFFFF  }
0xe5: {  	_ =	strace $0x90000047  }
0xe6: {  	s0 =	stileid.u32;
	[bflag:$0x2] =	sbarrier.arrive $0xFFFF  }
0xe7: {  	p0 =	sne.s32 s0, $0x0;
	s0 =	rddreg [dreg:$0x2]  }
0xe8: {  	s0 =	sadd.s32 @!p0 $0x100000, s0  }
0xe9: {  	[sflag:s0] =	ssyncadd.tile.s32 @!p0 $0x1;
	_ =	shalt  }
.Lfunc_end2:
_tile_overlayer_lowered:
.L_overlay_start_2:
0xea: {  	(tag) =	ssettag $0x2  }
0xeb: {  	s0 =	rddreg [dreg:$0x0];
	s2 =	stileid.u32  }
0xec: {  	s1 =	rddreg [dreg:$0x1];
	p0 =	sne.s32 s2, $0x0  }
0xed: {  	s3 =	rddreg [dreg:$0x2];
	[bflag:$0x3] =	sbarrier.arrive $0xFFFF;
	s2 =	simm.s32 @!p0 $0x1C09  }
0xee: {  	[timem:s3], [sflag:s2] =	dma.local @!p0 [hbm:s0], s1  }
0xef: {  	s0 =	simm.s32 @!p0 $0x9  }
0xf0: {  	_ =	swait.ge @!p0 [sflag:s0], s1  }
0xf1: {  	s1 =	ssub.s32 @!p0 $0x0, s1;
	[sflag:s0] =	ssyncset.done @!p0 $0x0  }
0xf2: {  	[sflag:s0] =	ssyncadd.s32 @!p0 s1  }
0xf3: {  	[bflag:$0x3] =	sbarrier.arrive $0xFFFF  }
0xf4: {  	_ =	shalt  }

// kernel: sparse-core-data-format-call.cloned.1.call-start
scs
called_computation_lowered:
.L_overlay_start_0:
0x0: {  	s2 =	sld [smem:$0x3FD9]  }
0x1: {  	s3 =	sld [smem:$0x3FFE];
	_ =	sdelay $0x1  }
0x2: {  	s1 =	srdreg.scid  }
0x3: {  	s0 =	sand.u32 $0x1, s1  }
0x4: {  	s18 =	sshll.u32 s0, $0xA;
	s2 =	sadd.s32 s3, s2  }
0x5: {  	s2 =	sadd.s32 s2, s18  }
0x6: {  	[smem:$0x3FC6] =	sst s2  }
0x7: {  	_ = 	snop  }
0x8: {  	s2 =	sld [smem:$0x3FD0];
	(tm) =	ssettm $0x1  }
0x9: {  	s19 =	sld [smem:$0x3FFB];
	_ =	sdelay $0x3  }
0xa: {  	_ =	strace s19  }
0xb: {  	s3 =	sld [smem:$0x3FFC];
	_ =	sdelay $0x3  }
0xc: {  	_ =	strace s3  }
0xd: {  	s3 =	sld [smem:$0x3FFD];
	_ =	sdelay $0x3  }
0xe: {  	_ =	strace s3  }
0xf: {  	_ =	strace $0x8FFFFFFF  }
0x10: {  	s20 =	sld [smem:$0x3FDB];
	_ =	sdelay $0x1  }
0x11: {  	s4 =	simm.s32 $_scs_section_size  }
0x12: {  	s5 =	simm.s32 $_size__tile_overlayer_lowered;
	s6 =	simm.s32 $_tile_overlayer_lowered  }
0x13: {  	s23 =	simm.s32 $0x1BFF;
	s22 =	sshll.u32 s6, $0x1;
	s3 =	sadd.s32 s4, s20  }
0x14: {  	s7 =	simm.s32 $0x0;
	s21 =	sshll.u32 s5, $0x1;
	s5 =	sadd.s32 s22, s3  }
0x15: {  	[timem:s7], [sflag:s23] =	dma.local [hbm:s5], s21  }
0x16: {  	_ =	swait.ge [sflag:s23], s21  }
0x17: {  	s4 =	ssub.s32 $0x0, s21;
	[sflag:s23] =	ssyncset.done $0x0  }
0x18: {  	[sflag:s23] =	ssyncadd.s32 s4;
	_ =	sdelay $0x1  }
0x19: {  	s24 =	simm.s32 $0x1B8B  }
0x1a: {  	_ =	swait.ge [sflag:s24], $0x1  }
0x1b: {  	[sflag:s24] =	ssyncset.done $0x0  }
0x1c: {  	s26 =	simm.s32 $0x1B8E;
	s25 =	sld [smem:$0x3FFE];
	[sflag:s24] =	ssyncadd.s32 $0xFFFFFFFF  }
0x1d: {  	s27 =	simm.s32 $execute0_lowered;
	[smem:$0x3FD2] =	sst s26  }
0x1e: {  	s5 =	sshll.u32 s27, $0x1;
	_ =	strace $0x80000049;
	[dreg:$0x1] =	wrdreg $0xFFFFFFFF  }
0x1f: {  	s28 =	simm.s32 $_size_execute0_lowered;
	s3 =	sadd.s32 s3, s5;
	[dreg:$0x0] =	wrdreg $0x0  }
0x20: {  	s5 =	sshll.u32 s28, $0x1;
	[dreg:$0x2] =	wrdreg s3  }
0x21: {  	[dreg:$0x3] =	wrdreg s5  }
0x22: {  	[dreg:$0x4] =	wrdreg $0xC0  }
0x23: {  	_ =	task [dreg:s7], $0x5FFFF  }
0x24: {  	[dreg:$0x1] =	wrdreg $0xFFFFFFFF  }
0x25: {  	[dreg:$0x0] =	wrdreg $0x60  }
0x26: {  	[dreg:$0x2] =	wrdreg s25  }
0x27: {  	[dreg:$0x3] =	wrdreg s2  }
0x28: {  	[dreg:$0x4] =	wrdreg $0x9  }
0x29: {  	_ =	task.clear_ibuf [dreg:s7], $0x5FFFF;
	_ =	strace $0x90000049  }
0x2a: {  	s29 =	simm.s32 $0x9;
	_ =	strace $0x8000004B  }
0x2b: {  	_ =	swait.ge [sflag:s29], $0x1  }
0x2c: {  	[sflag:s29] =	ssyncadd.s32 $0xFFFFFFFF  }
0x2d: {  	_ =	strace $0x9000004B  }
0x2e: {  	_ =	sfence  }
0x2f: {  	s30 =	sld [smem:$0x0];
	_ =	sdelay $0x2  }
0x30: {  	s31 =	sshll.u32 s1, $0xD;
	s1 =	sshrl.u32 s1, $0x2  }
0x31: {  	s3 =	sand.u32 $0x4000, s31;
	s1 =	sadd.s32 s1, s30  }
0x32: {  	s0 =	sor.u32 s3, s0;
	s1 =	sshll.u32 s1, $0x11  }
0x33: {  	s0 =	sor.u32 s1, s0  }
0x34: {  	s0 =	sadd.s32 $0x8F2B, s0  }
0x35: {  	[sflag:s0] =	ssyncadd.remote.s32 $0x1  }
0x36: {  	_ =	sfence.sel $0xFFFF  }
0x37: {  	[dreg:$0x0] =	wrdreg $0xFFFFFFFF;
	(pc) =	sbr.abs _section_cstart, $3  }
0x38: {  	[dreg:$0x1] =	wrdreg $0xFFFFFFFF  }
0x39: {  	_ =	task.clear_ibuf [dreg:s7], $0x2FFFF;
	_ =	strace $0x9FFFFFFF  }
0x3a: {  	(tm) =	ssettm $0x7FFFFFFF  }
0x3b: {  	_ =	shalt  }
tec
execute0_lowered:
.L_overlay_start_1:
0x0: {  	(tag) =	ssettag $0x1  }
0x1: {  	s0 =	srdreg.scid  }
0x2: {  	s1 =	sshll.u32 s0, $0x4  }
0x3: {  	s0 =	stileid.u32;
	s1 =	sand.u32 $0x10, s1  }
0x4: {  	s1 =	sor.u32 s0, s1  }
0x5: {  	s6 =	rddreg [dreg:$0x0];
	s4 =	simm.s32 $0x1;
	s2 =	sshll.u32 s1, $0x7  }
0x6: {  	s7 =	simm.s32 $0x2;
	s12 =	simm.s32 $0x0;
	s1 =	ssub.s32 $0x1000, s2  }
0x7: {  	s8 =	simm.s32 $0x8000;
	s13 =	simm.s32 $0x0;
	s3 =	sand.u32 $0xF80, s1  }
0x8: {  	s9 =	simm.s32 $0x0;
	s5 =	sshrl.u32 s1, $0xC;
	p0 =	sne.s32 s3, $0x0  }
.Ltmp0:
0x9: {  	s1 =	rddreg [dreg:$0x2];
	s4 =	simm.s32 @!p0 $0x0;
	(pc) =	sbr.rel .LBB1_1-.Ltmp0, $4  }
0xa: {  	s11 =	simm.s32 $0x0;
	s3 =	rddreg [dreg:$0x1];
	s5 =	sadd.s32 s4, s5  }
0xb: {  	_ =	strace $0x8000004A;
	s4 =	simm.s32 $0x1;
	s5 =	smul.u32 $0xC8, s5  }
0xc: {  	s6 =	sadd.s32 $0xA00, s6;
	s10 =	smov.u32 s2;
	[sflag:s4] =	ssyncpa.u1 $0x0  }
0xd: {  	p0 =	por $0x0, $0x0;
	[sflag:s7] =	ssyncpa.u1 $0x0;
	s7 =	sor.u32 $0x1, s5  }
.LBB1_4:
0xe: {  	s16 =	sshll.u32 s13, $0x3;
	s17 =	sand.u32 $0x78, s13  }
0xf: {  	s30 =	sand.u32 $0x7E00, s13;
	s12 =	sshll.u32 s12, $0xF;
	s16 =	sand.u32 $0xC00, s16  }
0x10: {  	[tilespmem:s15+$0x810 ss:$0x81] =	vst.msk $0xffff, v2;
	s31 =	sand.u32 $0x7, s13;
	s16 =	sor.u32 s17, s16;
	s17 =	sadd.s32 s3, s30  }
0x11: {  	[tilespmem:s15+$0x1020 ss:$0x81] =	vst.msk $0xffff, v0;
	s13 =	sshll.u32 s31, $0x12;
	s12 =	sadd.s32 s12, s17;
	s16 =	sshrl.u32 s16, $0x3  }
0x12: {  	[tilespmem:s15+$0x0 ss:$0x81] =	vst.msk $0xffff, v1;
	s13 =	sor.u32 $0x400, s13;
	s12 =	sadd.s32 s16, s12  }
0x13: {  	[hbm4b:s12+s13] =	stream.strided.scatter [tilespmem:s14], [sflag:$0x2], $0x2000, s8, s13, $0x20;
	[tilespmem:$0x8080] =	vst v63  }
.LBB1_5:
0x14: {  	s14 =	sadd.s32 $0x1, s9  }
0x15: {  	s12 =	sadd.s32 $0x1000, s10;
	s16 =	smov.u32 s10;
	p2 =	sgt.s32 s14, $0xC7  }
0x16: {  	s16 =	smov.u32 @p2 s12  }
0x17: {  	s14 =	simm.s32 @p2 $0x0;
	p2 =	sgt.s32 s16, $0xFFF  }
0x18: {  	s16 =	smov.u32 @p2 s2;
	p2 =	sne.s32 s11, s7  }
.Ltmp1:
0x19: {  	p1 =	slt.u32 s11, $0x2;
	(pc) =	sbr.rel @!p2 .LBB1_6-.Ltmp1, $4  }
0x1a: {  	s15 =	simm.s32 @!p1 $0x2  }
0x1b: {  	s13 =	smov.u32 s10;
	p0 =	por !p0, !p0;
	_ =	swait.ge @!p1 [sflag:s15], $0x2000  }
0x1c: {  	s12 =	smov.u32 s9;
	[sflag:s15] =	ssyncset.done @!p1 $0x0;
	s9 =	smov.u32 s14  }
0x1d: {  	s11 =	sadd.s32 $0x1, s11;
	[sflag:s15] =	ssyncadd.s32 @!p1 $0xFFFFE000;
	s10 =	smov.u32 s16  }
.LBB1_1:
0x1e: {  	p1 =	sge.u32 s11, s5  }
0x1f: {  	s14 =	sand.u32 @!p1 $0x1FFFFFF, s9  }
0x20: {  	s15 =	smulhi.u32 @!p1 $0x147AE15, s14;
	_ =	sdelay $0x1  }
0x21: {  	s15 =	smul.u32 @!p1 $0xC8, s15  }
0x22: {  	s16 =	sxor.u32 @!p1 $0xFFFFFFFF, s11;
	s17 =	smul.u32 @!p1 $0xC80, s10  }
0x23: {  	s31 =	sadd.s32 $0xFFFFFFFF, s11;
	s16 =	sshll.u32 @!p1 s16, $0xD;
	s14 =	ssub.s32 @!p1 s14, s15  }
0x24: {  	s15 =	sand.u32 @!p1 $0x2000, s16;
	s16 =	sadd.s32 @!p1 s6, s17;
	s14 =	sshll.u32 @!p1 s14, $0x4  }
0x25: {  	s17 =	simm.s32 @!p1 $0x6400;
	s14 =	sadd.s32 @!p1 s14, s16;
	s16 =	simm.s32 @!p1 $0x40  }
0x26: {  	[tilespmem:s15], [sflag:$0x1] =	stream.strided.gather @!p1 [hbm4b:s14+s16], $0x2000, s17, s16, $0x38;
	[tilespmem:$0x8080] =	vst v63  }
0x27: {  	p1 =	sge.u32 s31, s5  }
.Ltmp2:
0x28: {  	_ = 	snop;
	(pc) =	sbr.rel @p1 .LBB1_5-.Ltmp2, $1  }
0x29: {  	_ =	sdelay $0x3  }
0x2a: {  	s14 =	simm.s32 $0x1  }
0x2b: {  	_ =	swait.ge [sflag:s4], $0x2000;
	s14 =	simm.s32 @!p0 $0x0  }
0x2c: {  	[sflag:s4] =	ssyncset.done $0x0;
	s15 =	sshll.u32 s14, $0xD  }
0x2d: {  	[sflag:s4] =	ssyncadd.s32 $0xFFFFE000;
	s18 =	sor.u32 $0x20, s15  }
0x2e: {  	s14 =	smul.u32 $0x8100, s14;
	v3 =	vld [tilespmem:s18+$0x10]  }
0x2f: {  	s30 =	sand.u32 $0x1, s11;
	v2 =	vld [tilespmem:s18+$0xFFFFFFF0]  }
0x30: {  	s15 =	smul.u32 $0x8100, s30;
	s14 =	sshrl.u32 s14, $0x2;
	v0 =	vld [tilespmem:s18+$0x0]  }
0x31: {  	v1 =	vld [tilespmem:s18+$0xFFFFFFE0];
	s16 =	sor.u32 $0x4000, s14  }
0x32: {  	s31 =	sshrl.u32 s15, $0x2;
	s15 =	sadd.s32 $0x0, s16  }
0x33: {  	s17 =	simm.s32 $0x4;
	s18 =	sadd.s32 $0x40, s18;
	s14 =	sor.u32 $0x4000, s31;
	[tilespmem:s15+$0x1830 ss:$0x81] =	vst.msk $0xffff, v3  }
.LBB1_3:
0x34: {  	v3 =	vld [tilespmem:s18+$0x10];
	p1 =	sne.s32 s17, $0x1FC;
	[tilespmem:s15+$0x810 ss:$0x81] =	vst.msk $0xffff, v2;
	s19 =	smov.u32 s17;
	s17 =	sadd.s32 $0x4, s17  }
.Ltmp3:
0x35: {  	v2 =	vld [tilespmem:s18+$0xFFFFFFF0];
	[tilespmem:s15+$0x1020 ss:$0x81] =	vst.msk $0xffff, v0;
	(pc) =	sbr.rel @p1 .LBB1_3-.Ltmp3, $4  }
0x36: {  	v0 =	vld [tilespmem:s18+$0x0];
	[tilespmem:s15+$0x0 ss:$0x81] =	vst.msk $0xffff, v1  }
0x37: {  	s15 =	sshra.s32 s19, $0x2;
	v1 =	vld [tilespmem:s18+$0xFFFFFFE0]  }
0x38: {  	s15 =	sadd.s32 s15, s16  }
0x39: {  	s18 =	sadd.s32 $0x40, s18;
	[tilespmem:s15+$0x1830 ss:$0x81] =	vst.msk $0xffff, v3  }
.Ltmp4:
0x3a: {  	_ = 	snop;
	(pc) =	sbr.rel .LBB1_4-.Ltmp4, $1  }
0x3b: {  	_ =	sdelay $0x3  }
.LBB1_6:
0x3c: {  	_ =	sfence.sel $0x180000  }
0x3d: {  	s2 =	simm.s32 $0x1;
	[bflag:$0x0] =	sbarrier.arrive $0xFFFF  }
0x3e: {  	s31 =	simm.s32 $0x2;
	[sflag:s2] =	ssyncpa.u1 $0x1  }
0x3f: {  	[sflag:s31] =	ssyncpa.u1 $0x1  }
0x40: {  	p0 =	sne.s32 s0, $0x0;
	_ =	strace $0x9000004A  }
0x41: {  	s0 =	sadd.s32 @!p0 $0x100000, s1;
	[bflag:$0x2] =	sbarrier.arrive $0xFFFF  }
0x42: {  	[sflag:s0] =	ssyncadd.tile.s32 @!p0 $0x1;
	_ =	shalt  }
.Lfunc_end1:
_tile_overlayer_lowered:
.L_overlay_start_2:
0x43: {  	(tag) =	ssettag $0x2  }
0x44: {  	s0 =	rddreg [dreg:$0x0];
	s2 =	stileid.u32  }
0x45: {  	s1 =	rddreg [dreg:$0x1];
	p0 =	sne.s32 s2, $0x0  }
0x46: {  	s3 =	rddreg [dreg:$0x2];
	[bflag:$0x3] =	sbarrier.arrive $0xFFFF;
	s2 =	simm.s32 @!p0 $0x1C01  }
0x47: {  	[timem:s3], [sflag:s2] =	dma.local @!p0 [hbm:s0], s1  }
0x48: {  	s0 =	simm.s32 @!p0 $0x1  }
0x49: {  	_ =	swait.ge @!p0 [sflag:s0], s1  }
0x4a: {  	s1 =	ssub.s32 @!p0 $0x0, s1;
	[sflag:s0] =	ssyncset.done @!p0 $0x0  }
0x4b: {  	[sflag:s0] =	ssyncadd.s32 @!p0 s1  }
0x4c: {  	[bflag:$0x3] =	sbarrier.arrive $0xFFFF  }
0x4d: {  	_ =	shalt  }

</sc_bundles>
